<compile_context>
chip_gen: v7x
topology: tpu7x:2x2x1
jax: 0.10.2.dev20260603
libtpu: 0.0.44.dev20260713+nightly
codegen_flags: <defaults>
</compile_context>

<pallas_src>
import functools

import jax
import jax.numpy as jnp
from jax import lax
from jax.experimental import pallas as pl
from jax.experimental.pallas import tpu as pltpu
from jax.experimental.pallas import tpu_sc as plsc

_L = 199
_D = 128
_NM = 32
_B = 1024
_NC = 2
_NS = 16
_NW = _NC * _NS
_BPW = _B // _NW
_NCH = _D // 16


def _w_table_body(masks_ref, ind_ref, w_ref):
    ind = ind_ref[...]
    m_iota = lax.broadcasted_iota(jnp.int32, (_NM, _D), 0)
    sel = (ind == m_iota).astype(jnp.float32)
    w_ref[...] = lax.dot_general(sel, masks_ref[...],
                                 dimension_numbers=(((0,), (0,)), ((), ())),
                                 preferred_element_type=jnp.float32)


def _sc_body(xt_hbm, xp_hbm, w_hbm, out_hbm, xo_v, xp_v, w_v, s_in, s_out):
    wid = lax.axis_index("s") * _NC + lax.axis_index("c")
    base = wid * _BPW
    pltpu.sync_copy(w_hbm, w_v)
    lanes = lax.iota(jnp.int32, 16)

    def start_in(b, p):
        pltpu.make_async_copy(
            xt_hbm.at[b], xo_v.at[pl.ds(_L * p, _L)], s_in).start()
        pltpu.make_async_copy(
            xp_hbm.at[b], xp_v.at[pl.ds(_L * p, _L)], s_in).start()

    def wait_in(b):
        pltpu.make_async_copy(
            xt_hbm.at[b], xo_v.at[pl.ds(0, _L)], s_in).wait()
        pltpu.make_async_copy(
            xp_hbm.at[b], xp_v.at[pl.ds(0, _L)], s_in).wait()

    def start_out(b, p):
        pltpu.make_async_copy(
            xo_v.at[pl.ds(_L * p, _L)], out_hbm.at[b], s_out).start()

    def wait_out(b):
        pltpu.make_async_copy(
            xo_v.at[pl.ds(0, _L)], out_hbm.at[b], s_out).wait()

    def make_token_fn(par):
        row0 = par * _L

        def stage1(t):
            maxv = xo_v[row0 + t, pl.ds(0, 16)]
            cidx = jnp.zeros((16,), jnp.int32)
            for c in range(1, _NCH):
                v = xo_v[row0 + t, pl.ds(c * 16, 16)]
                better = v > maxv
                maxv = jnp.where(better, v, maxv)
                cidx = jnp.where(better, c, cidx)
            gmax = jax.lax.reduce_max(maxv, (0,))
            dcand = jnp.where(maxv == gmax, cidx * 16 + lanes, _D)
            return jax.lax.reduce_min(dcand, (0,))

        def stage2(u, bd):
            es = []
            s = jnp.zeros((16,), jnp.float32)
            for c in range(_NCH):
                m = w_v[bd, pl.ds(c * 16, 16)]
                p = xp_v[row0 + u, pl.ds(c * 16, 16)]
                e = jnp.exp(p) * m
                es.append(e)
                s = s + e
            total = jax.lax.reduce_sum(s, (0,))
            rinv = (jnp.ones((16,), jnp.float32)
                    / jnp.full((16,), total, jnp.float32))
            for c in range(_NCH):
                xo_v[row0 + u, pl.ds(c * 16, 16)] = es[c] * rinv

        def one_token(t, bd_prev):
            bd = stage1(jnp.minimum(t, _L - 1))
            stage2(jnp.maximum(t - 1, 0), bd_prev)
            return bd
        return one_token

    start_in(base, 0)

    def one_batch(i, carry):
        b = base + i
        par = lax.rem(i, 2)
        wait_in(b)

        @pl.when(i > 0)
        def _():
            wait_out(b - 1)

        @pl.when(jnp.logical_and(i < _BPW - 1, par == 0))
        def _():
            start_in(b + 1, 1)

        @pl.when(jnp.logical_and(i < _BPW - 1, par == 1))
        def _():
            start_in(b + 1, 0)

        lax.fori_loop(0, _L + 1, make_token_fn(par), 0)

        @pl.when(par == 0)
        def _():
            start_out(b, 0)

        @pl.when(par == 1)
        def _():
            start_out(b, 1)

        return carry

    lax.fori_loop(0, _BPW, one_batch, 0)
    wait_out(base + _BPW - 1)


def kernel(x_true, x_pred, masks, ind_of_ind):
    w = pl.pallas_call(
        _w_table_body,
        out_shape=jax.ShapeDtypeStruct((_D, _D), jnp.float32),
    )(masks, ind_of_ind.astype(jnp.int32).reshape(1, _D))
    mesh = plsc.VectorSubcoreMesh(core_axis_name="c", subcore_axis_name="s")
    f = functools.partial(
        pl.kernel,
        mesh=mesh,
        compiler_params=pltpu.CompilerParams(needs_layout_passes=False),
        out_type=jax.ShapeDtypeStruct((_B, _L, _D), jnp.float32),
        scratch_types=[
            pltpu.VMEM((2 * _L, _D), jnp.float32),
            pltpu.VMEM((2 * _L, _D), jnp.float32),
            pltpu.VMEM((_D, _D), jnp.float32),
            pltpu.SemaphoreType.DMA,
            pltpu.SemaphoreType.DMA,
        ],
    )(_sc_body)
    return f(x_true, x_pred, w)

# --- scband reference (transcript-rebuilt; emitter-appended) ---
"""Pipeline reference for scband-conditional-layer-11802570130116 (READ-ONLY COPY).

The authoritative reference and input builder live on the scoring server;
editing this copy changes nothing except your own understanding.
"""

import jax, jax.numpy as jnp
import numpy as np

MAX_LEN = 199
DIM = 128
NUM_MASKS = 32
BATCH = 1024

def setup_inputs(seed: int = 0) -> dict:
    key = jax.random.key(seed)
    k1, k2, k3, k4 = jax.random.split(key, 4)
    x_true = jax.random.normal(k1, (BATCH, MAX_LEN, DIM), dtype=jnp.float32)
    x_pred = jax.random.normal(k2, (BATCH, MAX_LEN, DIM), dtype=jnp.float32)
    # learned/constant variables from G.masks and G.ind_of_ind
    masks = (jax.random.uniform(k3, (NUM_MASKS, DIM)) < 0.5).astype(jnp.float32)
    masks = masks.at[:, 0].set(1.0)  # ensure every mask row has at least one valid production
    ind_of_ind = jax.random.randint(k4, (DIM,), 0, NUM_MASKS, dtype=jnp.int32)
    return {"x_true": x_true, "x_pred": x_pred, "masks": masks, "ind_of_ind": ind_of_ind}

def reference(x_true, x_pred, masks, ind_of_ind):
    most_likely = jnp.argmax(x_true, axis=-1)            # [B, L]
    most_likely = most_likely.reshape(-1)                # [B*L]
    ix2 = jnp.take(ind_of_ind, most_likely).astype(jnp.int32)  # [B*L] gather
    M2 = jnp.take(masks, ix2, axis=0)                    # [B*L, DIM] gather_nd equivalent
    M3 = M2.reshape(-1, MAX_LEN, DIM)                    # [B, L, DIM]
    P2 = jnp.exp(x_pred) * M3.astype(jnp.float32)
    P2 = P2 / jnp.sum(P2, axis=-1, keepdims=True)
    return P2

if __name__ == "__main__":
    import jax
    _d = setup_inputs()
    print(jax.jit(kernel)(*tuple(_d.values())))

</pallas_src>

<mosaic_0001>
#map = affine_map<(d0, d1) -> (0, 0, 0)>
#map1 = affine_map<(d0, d1) -> (0, 0)>
module attributes {stable_mosaic.version = 14 : i64} {
  func.func @_sc_body(%arg0: i32, %arg1: i32, %arg2: memref<1024x199x128xf32, #tpu.memory_space<hbm>>, %arg3: memref<1024x199x128xf32, #tpu.memory_space<hbm>>, %arg4: memref<128x128xf32, #tpu.memory_space<hbm>>, %arg5: memref<1024x199x128xf32, #tpu.memory_space<hbm>>, %arg6: memref<398x128xf32, #tpu.memory_space<vmem>>, %arg7: memref<398x128xf32, #tpu.memory_space<vmem>>, %arg8: memref<128x128xf32, #tpu.memory_space<vmem>>, %arg9: memref<!tpu.dma_semaphore, #tpu.memory_space<semaphore_mem>>, %arg10: memref<!tpu.dma_semaphore, #tpu.memory_space<semaphore_mem>>) attributes {dimension_semantics = [#tpu.dimension_semantics<core_parallel>, #tpu.dimension_semantics<subcore_parallel>], iteration_bounds = array<i64: 2, 16>, scalar_prefetch = 0 : i64, scratch_operands = 5 : i64, tpu.core_type = #tpu.core_type<sc_vector_subcore>, window_params = [{transform_indices = #map}, {transform_indices = #map}, {transform_indices = #map1}, {transform_indices = #map}]} {
    %mul3A = arith.constant 2 : i32
    %mul3A_0 = arith.muli %arg1, %mul3A : i32
    %add3A = arith.addi %mul3A_0, %arg0 : i32
    %mul3A_1 = arith.constant 32 : i32
    %mul3A_2 = arith.muli %add3A, %mul3A_1 : i32
    "tpu.region"() ({
      %run_scoped3A = tpu.sem_alloc : memref<!tpu.dma_semaphore, #tpu.memory_space<semaphore_mem>>
      tpu.enqueue_dma source(%arg4 : memref<128x128xf32, #tpu.memory_space<hbm>>) target(%arg8 : memref<128x128xf32, #tpu.memory_space<vmem>>) target_semaphore(%run_scoped3A : memref<!tpu.dma_semaphore, #tpu.memory_space<semaphore_mem>>)
      tpu.wait_dma2 semaphore(%run_scoped3A : memref<!tpu.dma_semaphore, #tpu.memory_space<semaphore_mem>>) src(%arg4 : memref<128x128xf32, #tpu.memory_space<hbm>>) dst(%arg8 : memref<128x128xf32, #tpu.memory_space<vmem>>)
      tpu.yield
    }) : () -> ()
    %iota3A = tpu.iota {dimensions = array<i32: 0>} : vector<16xi32>
    %dma_start3A = arith.constant 0 : i32
    %dma_start3A_3 = arith.constant 0 : i32
    %dma_start3A_4 = tpu.memref_slice %arg6[%dma_start3A, %dma_start3A_3] : memref<398x128xf32, #tpu.memory_space<vmem>> -> memref<199x128xf32, #tpu.memory_space<vmem>>
    %dma_start3A_5 = arith.constant 0 : i32
    %dma_start3A_6 = arith.constant 0 : i32
    %dma_start3A_7 = tpu.memref_slice %arg2[%mul3A_2, %dma_start3A_5, %dma_start3A_6] : memref<1024x199x128xf32, #tpu.memory_space<hbm>> -> memref<1x199x128xf32, #tpu.memory_space<hbm>>
    %dma_start3A_8 = tpu.memref_squeeze %dma_start3A_7 : memref<1x199x128xf32, #tpu.memory_space<hbm>> -> memref<199x128xf32, #tpu.memory_space<hbm>>
    %dma_start3A_9 = arith.constant 0 : i32
    %dma_start3A_10 = arith.constant 0 : i32
    %dma_start3A_11 = tpu.memref_slice %arg6[%dma_start3A_9, %dma_start3A_10] : memref<398x128xf32, #tpu.memory_space<vmem>> -> memref<199x128xf32, #tpu.memory_space<vmem>>
    %dma_start3A_12 = arith.constant 0 : i32
    %dma_start3A_13 = arith.constant 0 : i32
    %dma_start3A_14 = tpu.memref_slice %arg2[%mul3A_2, %dma_start3A_12, %dma_start3A_13] : memref<1024x199x128xf32, #tpu.memory_space<hbm>> -> memref<1x199x128xf32, #tpu.memory_space<hbm>>
    %dma_start3A_15 = tpu.memref_squeeze %dma_start3A_14 : memref<1x199x128xf32, #tpu.memory_space<hbm>> -> memref<199x128xf32, #tpu.memory_space<hbm>>
    tpu.enqueue_dma source(%dma_start3A_15 : memref<199x128xf32, #tpu.memory_space<hbm>>) target(%dma_start3A_11 : memref<199x128xf32, #tpu.memory_space<vmem>>) target_semaphore(%arg9 : memref<!tpu.dma_semaphore, #tpu.memory_space<semaphore_mem>>)
    %dma_start3A_16 = arith.constant 0 : i32
    %dma_start3A_17 = arith.constant 0 : i32
    %dma_start3A_18 = tpu.memref_slice %arg7[%dma_start3A_16, %dma_start3A_17] : memref<398x128xf32, #tpu.memory_space<vmem>> -> memref<199x128xf32, #tpu.memory_space<vmem>>
    %dma_start3A_19 = arith.constant 0 : i32
    %dma_start3A_20 = arith.constant 0 : i32
    %dma_start3A_21 = tpu.memref_slice %arg3[%mul3A_2, %dma_start3A_19, %dma_start3A_20] : memref<1024x199x128xf32, #tpu.memory_space<hbm>> -> memref<1x199x128xf32, #tpu.memory_space<hbm>>
    %dma_start3A_22 = tpu.memref_squeeze %dma_start3A_21 : memref<1x199x128xf32, #tpu.memory_space<hbm>> -> memref<199x128xf32, #tpu.memory_space<hbm>>
    %dma_start3A_23 = arith.constant 0 : i32
    %dma_start3A_24 = arith.constant 0 : i32
    %dma_start3A_25 = tpu.memref_slice %arg7[%dma_start3A_23, %dma_start3A_24] : memref<398x128xf32, #tpu.memory_space<vmem>> -> memref<199x128xf32, #tpu.memory_space<vmem>>
    %dma_start3A_26 = arith.constant 0 : i32
    %dma_start3A_27 = arith.constant 0 : i32
    %dma_start3A_28 = tpu.memref_slice %arg3[%mul3A_2, %dma_start3A_26, %dma_start3A_27] : memref<1024x199x128xf32, #tpu.memory_space<hbm>> -> memref<1x199x128xf32, #tpu.memory_space<hbm>>
    %dma_start3A_29 = tpu.memref_squeeze %dma_start3A_28 : memref<1x199x128xf32, #tpu.memory_space<hbm>> -> memref<199x128xf32, #tpu.memory_space<hbm>>
    tpu.enqueue_dma source(%dma_start3A_29 : memref<199x128xf32, #tpu.memory_space<hbm>>) target(%dma_start3A_25 : memref<199x128xf32, #tpu.memory_space<vmem>>) target_semaphore(%arg9 : memref<!tpu.dma_semaphore, #tpu.memory_space<semaphore_mem>>)
    %scan3A = arith.constant 0 : i32
    %scan3A_30 = arith.constant 0 : i32
    %scan3A_31 = arith.constant 32 : i32
    %scan3A_32 = arith.addi %scan3A_30, %scan3A_31 : i32
    %scan3A_33 = arith.constant 1 : i32
    scf.for %scan3A_51 = %scan3A_30 to %scan3A_32 step %scan3A_33  : i32 {
      %add3A_52 = arith.addi %mul3A_2, %scan3A_51 : i32
      %rem3A = arith.constant 2 : i32
      %rem3A_53 = arith.remsi %scan3A_51, %rem3A : i32
      %dma_wait3A_54 = arith.constant 0 : i32
      %dma_wait3A_55 = arith.constant 0 : i32
      %dma_wait3A_56 = tpu.memref_slice %arg6[%dma_wait3A_54, %dma_wait3A_55] : memref<398x128xf32, #tpu.memory_space<vmem>> -> memref<199x128xf32, #tpu.memory_space<vmem>>
      %dma_wait3A_57 = arith.constant 0 : i32
      %dma_wait3A_58 = arith.constant 0 : i32
      %dma_wait3A_59 = tpu.memref_slice %arg2[%add3A_52, %dma_wait3A_57, %dma_wait3A_58] : memref<1024x199x128xf32, #tpu.memory_space<hbm>> -> memref<1x199x128xf32, #tpu.memory_space<hbm>>
      %dma_wait3A_60 = tpu.memref_squeeze %dma_wait3A_59 : memref<1x199x128xf32, #tpu.memory_space<hbm>> -> memref<199x128xf32, #tpu.memory_space<hbm>>
      %dma_wait3A_61 = arith.constant 0 : i32
      %dma_wait3A_62 = arith.constant 0 : i32
      %dma_wait3A_63 = tpu.memref_slice %arg6[%dma_wait3A_61, %dma_wait3A_62] : memref<398x128xf32, #tpu.memory_space<vmem>> -> memref<199x128xf32, #tpu.memory_space<vmem>>
      %dma_wait3A_64 = arith.constant 0 : i32
      %dma_wait3A_65 = arith.constant 0 : i32
      %dma_wait3A_66 = tpu.memref_slice %arg2[%add3A_52, %dma_wait3A_64, %dma_wait3A_65] : memref<1024x199x128xf32, #tpu.memory_space<hbm>> -> memref<1x199x128xf32, #tpu.memory_space<hbm>>
      %dma_wait3A_67 = tpu.memref_squeeze %dma_wait3A_66 : memref<1x199x128xf32, #tpu.memory_space<hbm>> -> memref<199x128xf32, #tpu.memory_space<hbm>>
      tpu.wait_dma2 semaphore(%arg9 : memref<!tpu.dma_semaphore, #tpu.memory_space<semaphore_mem>>) src(%dma_wait3A_67 : memref<199x128xf32, #tpu.memory_space<hbm>>) dst(%dma_wait3A_63 : memref<199x128xf32, #tpu.memory_space<vmem>>)
      %dma_wait3A_68 = arith.constant 0 : i32
      %dma_wait3A_69 = arith.constant 0 : i32
      %dma_wait3A_70 = tpu.memref_slice %arg7[%dma_wait3A_68, %dma_wait3A_69] : memref<398x128xf32, #tpu.memory_space<vmem>> -> memref<199x128xf32, #tpu.memory_space<vmem>>
      %dma_wait3A_71 = arith.constant 0 : i32
      %dma_wait3A_72 = arith.constant 0 : i32
      %dma_wait3A_73 = tpu.memref_slice %arg3[%add3A_52, %dma_wait3A_71, %dma_wait3A_72] : memref<1024x199x128xf32, #tpu.memory_space<hbm>> -> memref<1x199x128xf32, #tpu.memory_space<hbm>>
      %dma_wait3A_74 = tpu.memref_squeeze %dma_wait3A_73 : memref<1x199x128xf32, #tpu.memory_space<hbm>> -> memref<199x128xf32, #tpu.memory_space<hbm>>
      %dma_wait3A_75 = arith.constant 0 : i32
      %dma_wait3A_76 = arith.constant 0 : i32
      %dma_wait3A_77 = tpu.memref_slice %arg7[%dma_wait3A_75, %dma_wait3A_76] : memref<398x128xf32, #tpu.memory_space<vmem>> -> memref<199x128xf32, #tpu.memory_space<vmem>>
      %dma_wait3A_78 = arith.constant 0 : i32
      %dma_wait3A_79 = arith.constant 0 : i32
      %dma_wait3A_80 = tpu.memref_slice %arg3[%add3A_52, %dma_wait3A_78, %dma_wait3A_79] : memref<1024x199x128xf32, #tpu.memory_space<hbm>> -> memref<1x199x128xf32, #tpu.memory_space<hbm>>
      %dma_wait3A_81 = tpu.memref_squeeze %dma_wait3A_80 : memref<1x199x128xf32, #tpu.memory_space<hbm>> -> memref<199x128xf32, #tpu.memory_space<hbm>>
      tpu.wait_dma2 semaphore(%arg9 : memref<!tpu.dma_semaphore, #tpu.memory_space<semaphore_mem>>) src(%dma_wait3A_81 : memref<199x128xf32, #tpu.memory_space<hbm>>) dst(%dma_wait3A_77 : memref<199x128xf32, #tpu.memory_space<vmem>>)
      %gt3A = arith.constant 0 : i32
      %gt3A_82 = arith.cmpi sgt, %scan3A_51, %gt3A : i32
      %convert_element_type3A = arith.extui %gt3A_82 : i1 to i32
      %cond3A = arith.constant 0 : i32
      %cond3A_83 = arith.cmpi ne, %convert_element_type3A, %cond3A : i32
      scf.if %cond3A_83 {
        %sub3A_116 = arith.constant 1 : i32
        %sub3A_117 = arith.subi %add3A_52, %sub3A_116 : i32
        %dma_wait3A_118 = arith.constant 0 : i32
        %dma_wait3A_119 = arith.constant 0 : i32
        %dma_wait3A_120 = tpu.memref_slice %arg6[%dma_wait3A_118, %dma_wait3A_119] : memref<398x128xf32, #tpu.memory_space<vmem>> -> memref<199x128xf32, #tpu.memory_space<vmem>>
        %dma_wait3A_121 = arith.constant 0 : i32
        %dma_wait3A_122 = arith.constant 0 : i32
        %dma_wait3A_123 = tpu.memref_slice %arg5[%sub3A_117, %dma_wait3A_121, %dma_wait3A_122] : memref<1024x199x128xf32, #tpu.memory_space<hbm>> -> memref<1x199x128xf32, #tpu.memory_space<hbm>>
        %dma_wait3A_124 = tpu.memref_squeeze %dma_wait3A_123 : memref<1x199x128xf32, #tpu.memory_space<hbm>> -> memref<199x128xf32, #tpu.memory_space<hbm>>
        %dma_wait3A_125 = arith.constant 0 : i32
        %dma_wait3A_126 = arith.constant 0 : i32
        %dma_wait3A_127 = tpu.memref_slice %arg5[%sub3A_117, %dma_wait3A_125, %dma_wait3A_126] : memref<1024x199x128xf32, #tpu.memory_space<hbm>> -> memref<1x199x128xf32, #tpu.memory_space<hbm>>
        %dma_wait3A_128 = tpu.memref_squeeze %dma_wait3A_127 : memref<1x199x128xf32, #tpu.memory_space<hbm>> -> memref<199x128xf32, #tpu.memory_space<hbm>>
        %dma_wait3A_129 = arith.constant 0 : i32
        %dma_wait3A_130 = arith.constant 0 : i32
        %dma_wait3A_131 = tpu.memref_slice %arg6[%dma_wait3A_129, %dma_wait3A_130] : memref<398x128xf32, #tpu.memory_space<vmem>> -> memref<199x128xf32, #tpu.memory_space<vmem>>
        tpu.wait_dma2 semaphore(%arg10 : memref<!tpu.dma_semaphore, #tpu.memory_space<semaphore_mem>>) src(%dma_wait3A_131 : memref<199x128xf32, #tpu.memory_space<vmem>>) dst(%dma_wait3A_128 : memref<199x128xf32, #tpu.memory_space<hbm>>)
      } else {
      }
      %lt3A = arith.constant 31 : i32
      %lt3A_84 = arith.cmpi slt, %scan3A_51, %lt3A : i32
      %eq3A = arith.constant 0 : i32
      %eq3A_85 = arith.cmpi eq, %rem3A_53, %eq3A : i32
      %and3A = arith.andi %lt3A_84, %eq3A_85 : i1
      %convert_element_type3A_86 = arith.extui %and3A : i1 to i32
      %cond3A_87 = arith.constant 0 : i32
      %cond3A_88 = arith.cmpi ne, %convert_element_type3A_86, %cond3A_87 : i32
      scf.if %cond3A_88 {
        %add3A_116 = arith.constant 1 : i32
        %add3A_117 = arith.addi %add3A_52, %add3A_116 : i32
        %dma_start3A_118 = arith.constant 199 : i32
        %dma_start3A_119 = arith.constant 0 : i32
        %dma_start3A_120 = tpu.memref_slice %arg6[%dma_start3A_118, %dma_start3A_119] : memref<398x128xf32, #tpu.memory_space<vmem>> -> memref<199x128xf32, #tpu.memory_space<vmem>>
        %dma_start3A_121 = arith.constant 0 : i32
        %dma_start3A_122 = arith.constant 0 : i32
        %dma_start3A_123 = tpu.memref_slice %arg2[%add3A_117, %dma_start3A_121, %dma_start3A_122] : memref<1024x199x128xf32, #tpu.memory_space<hbm>> -> memref<1x199x128xf32, #tpu.memory_space<hbm>>
        %dma_start3A_124 = tpu.memref_squeeze %dma_start3A_123 : memref<1x199x128xf32, #tpu.memory_space<hbm>> -> memref<199x128xf32, #tpu.memory_space<hbm>>
        %dma_start3A_125 = arith.constant 199 : i32
        %dma_start3A_126 = arith.constant 0 : i32
        %dma_start3A_127 = tpu.memref_slice %arg6[%dma_start3A_125, %dma_start3A_126] : memref<398x128xf32, #tpu.memory_space<vmem>> -> memref<199x128xf32, #tpu.memory_space<vmem>>
        %dma_start3A_128 = arith.constant 0 : i32
        %dma_start3A_129 = arith.constant 0 : i32
        %dma_start3A_130 = tpu.memref_slice %arg2[%add3A_117, %dma_start3A_128, %dma_start3A_129] : memref<1024x199x128xf32, #tpu.memory_space<hbm>> -> memref<1x199x128xf32, #tpu.memory_space<hbm>>
        %dma_start3A_131 = tpu.memref_squeeze %dma_start3A_130 : memref<1x199x128xf32, #tpu.memory_space<hbm>> -> memref<199x128xf32, #tpu.memory_space<hbm>>
        tpu.enqueue_dma source(%dma_start3A_131 : memref<199x128xf32, #tpu.memory_space<hbm>>) target(%dma_start3A_127 : memref<199x128xf32, #tpu.memory_space<vmem>>) target_semaphore(%arg9 : memref<!tpu.dma_semaphore, #tpu.memory_space<semaphore_mem>>)
        %dma_start3A_132 = arith.constant 199 : i32
        %dma_start3A_133 = arith.constant 0 : i32
        %dma_start3A_134 = tpu.memref_slice %arg7[%dma_start3A_132, %dma_start3A_133] : memref<398x128xf32, #tpu.memory_space<vmem>> -> memref<199x128xf32, #tpu.memory_space<vmem>>
        %dma_start3A_135 = arith.constant 0 : i32
        %dma_start3A_136 = arith.constant 0 : i32
        %dma_start3A_137 = tpu.memref_slice %arg3[%add3A_117, %dma_start3A_135, %dma_start3A_136] : memref<1024x199x128xf32, #tpu.memory_space<hbm>> -> memref<1x199x128xf32, #tpu.memory_space<hbm>>
        %dma_start3A_138 = tpu.memref_squeeze %dma_start3A_137 : memref<1x199x128xf32, #tpu.memory_space<hbm>> -> memref<199x128xf32, #tpu.memory_space<hbm>>
        %dma_start3A_139 = arith.constant 199 : i32
        %dma_start3A_140 = arith.constant 0 : i32
        %dma_start3A_141 = tpu.memref_slice %arg7[%dma_start3A_139, %dma_start3A_140] : memref<398x128xf32, #tpu.memory_space<vmem>> -> memref<199x128xf32, #tpu.memory_space<vmem>>
        %dma_start3A_142 = arith.constant 0 : i32
        %dma_start3A_143 = arith.constant 0 : i32
        %dma_start3A_144 = tpu.memref_slice %arg3[%add3A_117, %dma_start3A_142, %dma_start3A_143] : memref<1024x199x128xf32, #tpu.memory_space<hbm>> -> memref<1x199x128xf32, #tpu.memory_space<hbm>>
        %dma_start3A_145 = tpu.memref_squeeze %dma_start3A_144 : memref<1x199x128xf32, #tpu.memory_space<hbm>> -> memref<199x128xf32, #tpu.memory_space<hbm>>
        tpu.enqueue_dma source(%dma_start3A_145 : memref<199x128xf32, #tpu.memory_space<hbm>>) target(%dma_start3A_141 : memref<199x128xf32, #tpu.memory_space<vmem>>) target_semaphore(%arg9 : memref<!tpu.dma_semaphore, #tpu.memory_space<semaphore_mem>>)
      } else {
      }
      %lt3A_89 = arith.constant 31 : i32
      %lt3A_90 = arith.cmpi slt, %scan3A_51, %lt3A_89 : i32
      %eq3A_91 = arith.constant 1 : i32
      %eq3A_92 = arith.cmpi eq, %rem3A_53, %eq3A_91 : i32
      %and3A_93 = arith.andi %lt3A_90, %eq3A_92 : i1
      %convert_element_type3A_94 = arith.extui %and3A_93 : i1 to i32
      %cond3A_95 = arith.constant 0 : i32
      %cond3A_96 = arith.cmpi ne, %convert_element_type3A_94, %cond3A_95 : i32
      scf.if %cond3A_96 {
        %add3A_116 = arith.constant 1 : i32
        %add3A_117 = arith.addi %add3A_52, %add3A_116 : i32
        %dma_start3A_118 = arith.constant 0 : i32
        %dma_start3A_119 = arith.constant 0 : i32
        %dma_start3A_120 = tpu.memref_slice %arg6[%dma_start3A_118, %dma_start3A_119] : memref<398x128xf32, #tpu.memory_space<vmem>> -> memref<199x128xf32, #tpu.memory_space<vmem>>
        %dma_start3A_121 = arith.constant 0 : i32
        %dma_start3A_122 = arith.constant 0 : i32
        %dma_start3A_123 = tpu.memref_slice %arg2[%add3A_117, %dma_start3A_121, %dma_start3A_122] : memref<1024x199x128xf32, #tpu.memory_space<hbm>> -> memref<1x199x128xf32, #tpu.memory_space<hbm>>
        %dma_start3A_124 = tpu.memref_squeeze %dma_start3A_123 : memref<1x199x128xf32, #tpu.memory_space<hbm>> -> memref<199x128xf32, #tpu.memory_space<hbm>>
        %dma_start3A_125 = arith.constant 0 : i32
        %dma_start3A_126 = arith.constant 0 : i32
        %dma_start3A_127 = tpu.memref_slice %arg6[%dma_start3A_125, %dma_start3A_126] : memref<398x128xf32, #tpu.memory_space<vmem>> -> memref<199x128xf32, #tpu.memory_space<vmem>>
        %dma_start3A_128 = arith.constant 0 : i32
        %dma_start3A_129 = arith.constant 0 : i32
        %dma_start3A_130 = tpu.memref_slice %arg2[%add3A_117, %dma_start3A_128, %dma_start3A_129] : memref<1024x199x128xf32, #tpu.memory_space<hbm>> -> memref<1x199x128xf32, #tpu.memory_space<hbm>>
        %dma_start3A_131 = tpu.memref_squeeze %dma_start3A_130 : memref<1x199x128xf32, #tpu.memory_space<hbm>> -> memref<199x128xf32, #tpu.memory_space<hbm>>
        tpu.enqueue_dma source(%dma_start3A_131 : memref<199x128xf32, #tpu.memory_space<hbm>>) target(%dma_start3A_127 : memref<199x128xf32, #tpu.memory_space<vmem>>) target_semaphore(%arg9 : memref<!tpu.dma_semaphore, #tpu.memory_space<semaphore_mem>>)
        %dma_start3A_132 = arith.constant 0 : i32
        %dma_start3A_133 = arith.constant 0 : i32
        %dma_start3A_134 = tpu.memref_slice %arg7[%dma_start3A_132, %dma_start3A_133] : memref<398x128xf32, #tpu.memory_space<vmem>> -> memref<199x128xf32, #tpu.memory_space<vmem>>
        %dma_start3A_135 = arith.constant 0 : i32
        %dma_start3A_136 = arith.constant 0 : i32
        %dma_start3A_137 = tpu.memref_slice %arg3[%add3A_117, %dma_start3A_135, %dma_start3A_136] : memref<1024x199x128xf32, #tpu.memory_space<hbm>> -> memref<1x199x128xf32, #tpu.memory_space<hbm>>
        %dma_start3A_138 = tpu.memref_squeeze %dma_start3A_137 : memref<1x199x128xf32, #tpu.memory_space<hbm>> -> memref<199x128xf32, #tpu.memory_space<hbm>>
        %dma_start3A_139 = arith.constant 0 : i32
        %dma_start3A_140 = arith.constant 0 : i32
        %dma_start3A_141 = tpu.memref_slice %arg7[%dma_start3A_139, %dma_start3A_140] : memref<398x128xf32, #tpu.memory_space<vmem>> -> memref<199x128xf32, #tpu.memory_space<vmem>>
        %dma_start3A_142 = arith.constant 0 : i32
        %dma_start3A_143 = arith.constant 0 : i32
        %dma_start3A_144 = tpu.memref_slice %arg3[%add3A_117, %dma_start3A_142, %dma_start3A_143] : memref<1024x199x128xf32, #tpu.memory_space<hbm>> -> memref<1x199x128xf32, #tpu.memory_space<hbm>>
        %dma_start3A_145 = tpu.memref_squeeze %dma_start3A_144 : memref<1x199x128xf32, #tpu.memory_space<hbm>> -> memref<199x128xf32, #tpu.memory_space<hbm>>
        tpu.enqueue_dma source(%dma_start3A_145 : memref<199x128xf32, #tpu.memory_space<hbm>>) target(%dma_start3A_141 : memref<199x128xf32, #tpu.memory_space<vmem>>) target_semaphore(%arg9 : memref<!tpu.dma_semaphore, #tpu.memory_space<semaphore_mem>>)
      } else {
      }
      %mul3A_97 = arith.constant 199 : i32
      %mul3A_98 = arith.muli %rem3A_53, %mul3A_97 : i32
      %scan3A_99 = arith.constant 0 : i32
      %scan3A_100 = arith.constant 0 : i32
      %scan3A_101 = arith.constant 200 : i32
      %scan3A_102 = arith.addi %scan3A_100, %scan3A_101 : i32
      %scan3A_103 = arith.constant 1 : i32
      %scan3A_104 = scf.for %scan3A_116 = %scan3A_100 to %scan3A_102 step %scan3A_103 iter_args(%scan3A_117 = %scan3A_99) -> (i32)  : i32 {
        %min3A = arith.constant 198 : i32
        %min3A_118 = arith.minsi %scan3A_116, %min3A : i32
        %add3A_119 = arith.addi %mul3A_98, %min3A_118 : i32
        %get3A = arith.index_cast %add3A_119 : i32 to index
        %get3A_120 = arith.constant 0 : index
        %get3A_121 = tpu.vector_load %arg6[%get3A, %get3A_120] {strides = array<i32>} : memref<398x128xf32, #tpu.memory_space<vmem>>, vector<16xf32>,
        %broadcast_in_dim3A = arith.constant 0 : i32
        %broadcast_in_dim3A_122 = vector.broadcast %broadcast_in_dim3A : i32 to vector<16xi32>
        %add3A_123 = arith.addi %mul3A_98, %min3A_118 : i32
        %get3A_124 = arith.index_cast %add3A_123 : i32 to index
        %get3A_125 = arith.constant 16 : index
        %get3A_126 = tpu.vector_load %arg6[%get3A_124, %get3A_125] {strides = array<i32>} : memref<398x128xf32, #tpu.memory_space<vmem>>, vector<16xf32>,
        %gt3A_127 = arith.cmpf ogt, %get3A_126, %get3A_121 : vector<16xf32>
        %select_n3A = arith.select %gt3A_127, %get3A_126, %get3A_121 : vector<16xi1>, vector<16xf32>
        %jit3A = arith.constant 1 : i32
        %broadcast_in_dim3A_128 = vector.broadcast %jit3A : i32 to vector<16xi32>
        %select_n3A_129 = arith.select %gt3A_127, %broadcast_in_dim3A_128, %broadcast_in_dim3A_122 : vector<16xi1>, vector<16xi32>
        %add3A_130 = arith.addi %mul3A_98, %min3A_118 : i32
        %get3A_131 = arith.index_cast %add3A_130 : i32 to index
        %get3A_132 = arith.constant 32 : index
        %get3A_133 = tpu.vector_load %arg6[%get3A_131, %get3A_132] {strides = array<i32>} : memref<398x128xf32, #tpu.memory_space<vmem>>, vector<16xf32>,
        %gt3A_134 = arith.cmpf ogt, %get3A_133, %select_n3A : vector<16xf32>
        %select_n3A_135 = arith.select %gt3A_134, %get3A_133, %select_n3A : vector<16xi1>, vector<16xf32>
        %jit3A_136 = arith.constant 2 : i32
        %broadcast_in_dim3A_137 = vector.broadcast %jit3A_136 : i32 to vector<16xi32>
        %select_n3A_138 = arith.select %gt3A_134, %broadcast_in_dim3A_137, %select_n3A_129 : vector<16xi1>, vector<16xi32>
        %add3A_139 = arith.addi %mul3A_98, %min3A_118 : i32
        %get3A_140 = arith.index_cast %add3A_139 : i32 to index
        %get3A_141 = arith.constant 48 : index
        %get3A_142 = tpu.vector_load %arg6[%get3A_140, %get3A_141] {strides = array<i32>} : memref<398x128xf32, #tpu.memory_space<vmem>>, vector<16xf32>,
        %gt3A_143 = arith.cmpf ogt, %get3A_142, %select_n3A_135 : vector<16xf32>
        %select_n3A_144 = arith.select %gt3A_143, %get3A_142, %select_n3A_135 : vector<16xi1>, vector<16xf32>
        %jit3A_145 = arith.constant 3 : i32
        %broadcast_in_dim3A_146 = vector.broadcast %jit3A_145 : i32 to vector<16xi32>
        %select_n3A_147 = arith.select %gt3A_143, %broadcast_in_dim3A_146, %select_n3A_138 : vector<16xi1>, vector<16xi32>
        %add3A_148 = arith.addi %mul3A_98, %min3A_118 : i32
        %get3A_149 = arith.index_cast %add3A_148 : i32 to index
        %get3A_150 = arith.constant 64 : index
        %get3A_151 = tpu.vector_load %arg6[%get3A_149, %get3A_150] {strides = array<i32>} : memref<398x128xf32, #tpu.memory_space<vmem>>, vector<16xf32>,
        %gt3A_152 = arith.cmpf ogt, %get3A_151, %select_n3A_144 : vector<16xf32>
        %select_n3A_153 = arith.select %gt3A_152, %get3A_151, %select_n3A_144 : vector<16xi1>, vector<16xf32>
        %jit3A_154 = arith.constant 4 : i32
        %broadcast_in_dim3A_155 = vector.broadcast %jit3A_154 : i32 to vector<16xi32>
        %select_n3A_156 = arith.select %gt3A_152, %broadcast_in_dim3A_155, %select_n3A_147 : vector<16xi1>, vector<16xi32>
        %add3A_157 = arith.addi %mul3A_98, %min3A_118 : i32
        %get3A_158 = arith.index_cast %add3A_157 : i32 to index
        %get3A_159 = arith.constant 80 : index
        %get3A_160 = tpu.vector_load %arg6[%get3A_158, %get3A_159] {strides = array<i32>} : memref<398x128xf32, #tpu.memory_space<vmem>>, vector<16xf32>,
        %gt3A_161 = arith.cmpf ogt, %get3A_160, %select_n3A_153 : vector<16xf32>
        %select_n3A_162 = arith.select %gt3A_161, %get3A_160, %select_n3A_153 : vector<16xi1>, vector<16xf32>
        %jit3A_163 = arith.constant 5 : i32
        %broadcast_in_dim3A_164 = vector.broadcast %jit3A_163 : i32 to vector<16xi32>
        %select_n3A_165 = arith.select %gt3A_161, %broadcast_in_dim3A_164, %select_n3A_156 : vector<16xi1>, vector<16xi32>
        %add3A_166 = arith.addi %mul3A_98, %min3A_118 : i32
        %get3A_167 = arith.index_cast %add3A_166 : i32 to index
        %get3A_168 = arith.constant 96 : index
        %get3A_169 = tpu.vector_load %arg6[%get3A_167, %get3A_168] {strides = array<i32>} : memref<398x128xf32, #tpu.memory_space<vmem>>, vector<16xf32>,
        %gt3A_170 = arith.cmpf ogt, %get3A_169, %select_n3A_162 : vector<16xf32>
        %select_n3A_171 = arith.select %gt3A_170, %get3A_169, %select_n3A_162 : vector<16xi1>, vector<16xf32>
        %jit3A_172 = arith.constant 6 : i32
        %broadcast_in_dim3A_173 = vector.broadcast %jit3A_172 : i32 to vector<16xi32>
        %select_n3A_174 = arith.select %gt3A_170, %broadcast_in_dim3A_173, %select_n3A_165 : vector<16xi1>, vector<16xi32>
        %add3A_175 = arith.addi %mul3A_98, %min3A_118 : i32
        %get3A_176 = arith.index_cast %add3A_175 : i32 to index
        %get3A_177 = arith.constant 112 : index
        %get3A_178 = tpu.vector_load %arg6[%get3A_176, %get3A_177] {strides = array<i32>} : memref<398x128xf32, #tpu.memory_space<vmem>>, vector<16xf32>,
        %gt3A_179 = arith.cmpf ogt, %get3A_178, %select_n3A_171 : vector<16xf32>
        %select_n3A_180 = arith.select %gt3A_179, %get3A_178, %select_n3A_171 : vector<16xi1>, vector<16xf32>
        %jit3A_181 = arith.constant 7 : i32
        %broadcast_in_dim3A_182 = vector.broadcast %jit3A_181 : i32 to vector<16xi32>
        %select_n3A_183 = arith.select %gt3A_179, %broadcast_in_dim3A_182, %select_n3A_174 : vector<16xi1>, vector<16xi32>
        %reduce_max3A = arith.constant true
        %reduce_max3A_184 = vector.broadcast %reduce_max3A : i1 to vector<16xi1>
        %reduce_max3A_185 = tpu.scan <max>, %select_n3A_180 masked %reduce_max3A_184 : vector<16xf32>, vector<16xi1> -> vector<16xf32>
        %reduce_max3A_186 = vector.extract %reduce_max3A_185[15] : f32 from vector<16xf32>
        %eq3A_187 = vector.broadcast %reduce_max3A_186 : f32 to vector<16xf32>
        %eq3A_188 = arith.cmpf oeq, %select_n3A_180, %eq3A_187 : vector<16xf32>
        %mul3A_189 = arith.constant 16 : i32
        %mul3A_190 = vector.broadcast %mul3A_189 : i32 to vector<16xi32>
        %mul3A_191 = arith.muli %select_n3A_183, %mul3A_190 : vector<16xi32>
        %add3A_192 = arith.addi %mul3A_191, %iota3A : vector<16xi32>
        %jit3A_193 = arith.constant 128 : i32
        %broadcast_in_dim3A_194 = vector.broadcast %jit3A_193 : i32 to vector<16xi32>
        %select_n3A_195 = arith.select %eq3A_188, %add3A_192, %broadcast_in_dim3A_194 : vector<16xi1>, vector<16xi32>
        %reduce_min3A = arith.constant true
        %reduce_min3A_196 = vector.broadcast %reduce_min3A : i1 to vector<16xi1>
        %reduce_min3A_197 = arith.constant -2147483648 : i32
        %reduce_min3A_198 = vector.broadcast %reduce_min3A_197 : i32 to vector<16xi32>
        %reduce_min3A_199 = arith.xori %select_n3A_195, %reduce_min3A_198 : vector<16xi32>
        %reduce_min3A_200 = tpu.scan <min>, %reduce_min3A_199 masked %reduce_min3A_196 : vector<16xi32>, vector<16xi1> -> vector<16xi32>
        %reduce_min3A_201 = arith.xori %reduce_min3A_200, %reduce_min3A_198 : vector<16xi32>
        %reduce_min3A_202 = vector.extract %reduce_min3A_201[15] : i32 from vector<16xi32>
        %sub3A_203 = arith.constant 1 : i32
        %sub3A_204 = arith.subi %scan3A_116, %sub3A_203 : i32
        %max3A = arith.constant 0 : i32
        %max3A_205 = arith.maxsi %sub3A_204, %max3A : i32
        %broadcast_in_dim3A_206 = arith.constant 0.000000e+00 : f32
        %broadcast_in_dim3A_207 = vector.broadcast %broadcast_in_dim3A_206 : f32 to vector<16xf32>
        %get3A_208 = arith.index_cast %scan3A_117 : i32 to index
        %get3A_209 = arith.constant 0 : index
        %get3A_210 = tpu.vector_load %arg8[%get3A_208, %get3A_209] {strides = array<i32>} : memref<128x128xf32, #tpu.memory_space<vmem>>, vector<16xf32>,
        %add3A_211 = arith.addi %mul3A_98, %max3A_205 : i32
        %get3A_212 = arith.index_cast %add3A_211 : i32 to index
        %get3A_213 = arith.constant 0 : index
        %get3A_214 = tpu.vector_load %arg7[%get3A_212, %get3A_213] {strides = array<i32>} : memref<398x128xf32, #tpu.memory_space<vmem>>, vector<16xf32>,
        %exp3A = math.exp %get3A_214 : vector<16xf32>
        %mul3A_215 = arith.mulf %exp3A, %get3A_210 : vector<16xf32>
        %add3A_216 = arith.addf %broadcast_in_dim3A_207, %mul3A_215 : vector<16xf32>
        %get3A_217 = arith.index_cast %scan3A_117 : i32 to index
        %get3A_218 = arith.constant 16 : index
        %get3A_219 = tpu.vector_load %arg8[%get3A_217, %get3A_218] {strides = array<i32>} : memref<128x128xf32, #tpu.memory_space<vmem>>, vector<16xf32>,
        %add3A_220 = arith.addi %mul3A_98, %max3A_205 : i32
        %get3A_221 = arith.index_cast %add3A_220 : i32 to index
        %get3A_222 = arith.constant 16 : index
        %get3A_223 = tpu.vector_load %arg7[%get3A_221, %get3A_222] {strides = array<i32>} : memref<398x128xf32, #tpu.memory_space<vmem>>, vector<16xf32>,
        %exp3A_224 = math.exp %get3A_223 : vector<16xf32>
        %mul3A_225 = arith.mulf %exp3A_224, %get3A_219 : vector<16xf32>
        %add3A_226 = arith.addf %add3A_216, %mul3A_225 : vector<16xf32>
        %get3A_227 = arith.index_cast %scan3A_117 : i32 to index
        %get3A_228 = arith.constant 32 : index
        %get3A_229 = tpu.vector_load %arg8[%get3A_227, %get3A_228] {strides = array<i32>} : memref<128x128xf32, #tpu.memory_space<vmem>>, vector<16xf32>,
        %add3A_230 = arith.addi %mul3A_98, %max3A_205 : i32
        %get3A_231 = arith.index_cast %add3A_230 : i32 to index
        %get3A_232 = arith.constant 32 : index
        %get3A_233 = tpu.vector_load %arg7[%get3A_231, %get3A_232] {strides = array<i32>} : memref<398x128xf32, #tpu.memory_space<vmem>>, vector<16xf32>,
        %exp3A_234 = math.exp %get3A_233 : vector<16xf32>
        %mul3A_235 = arith.mulf %exp3A_234, %get3A_229 : vector<16xf32>
        %add3A_236 = arith.addf %add3A_226, %mul3A_235 : vector<16xf32>
        %get3A_237 = arith.index_cast %scan3A_117 : i32 to index
        %get3A_238 = arith.constant 48 : index
        %get3A_239 = tpu.vector_load %arg8[%get3A_237, %get3A_238] {strides = array<i32>} : memref<128x128xf32, #tpu.memory_space<vmem>>, vector<16xf32>,
        %add3A_240 = arith.addi %mul3A_98, %max3A_205 : i32
        %get3A_241 = arith.index_cast %add3A_240 : i32 to index
        %get3A_242 = arith.constant 48 : index
        %get3A_243 = tpu.vector_load %arg7[%get3A_241, %get3A_242] {strides = array<i32>} : memref<398x128xf32, #tpu.memory_space<vmem>>, vector<16xf32>,
        %exp3A_244 = math.exp %get3A_243 : vector<16xf32>
        %mul3A_245 = arith.mulf %exp3A_244, %get3A_239 : vector<16xf32>
        %add3A_246 = arith.addf %add3A_236, %mul3A_245 : vector<16xf32>
        %get3A_247 = arith.index_cast %scan3A_117 : i32 to index
        %get3A_248 = arith.constant 64 : index
        %get3A_249 = tpu.vector_load %arg8[%get3A_247, %get3A_248] {strides = array<i32>} : memref<128x128xf32, #tpu.memory_space<vmem>>, vector<16xf32>,
        %add3A_250 = arith.addi %mul3A_98, %max3A_205 : i32
        %get3A_251 = arith.index_cast %add3A_250 : i32 to index
        %get3A_252 = arith.constant 64 : index
        %get3A_253 = tpu.vector_load %arg7[%get3A_251, %get3A_252] {strides = array<i32>} : memref<398x128xf32, #tpu.memory_space<vmem>>, vector<16xf32>,
        %exp3A_254 = math.exp %get3A_253 : vector<16xf32>
        %mul3A_255 = arith.mulf %exp3A_254, %get3A_249 : vector<16xf32>
        %add3A_256 = arith.addf %add3A_246, %mul3A_255 : vector<16xf32>
        %get3A_257 = arith.index_cast %scan3A_117 : i32 to index
        %get3A_258 = arith.constant 80 : index
        %get3A_259 = tpu.vector_load %arg8[%get3A_257, %get3A_258] {strides = array<i32>} : memref<128x128xf32, #tpu.memory_space<vmem>>, vector<16xf32>,
        %add3A_260 = arith.addi %mul3A_98, %max3A_205 : i32
        %get3A_261 = arith.index_cast %add3A_260 : i32 to index
        %get3A_262 = arith.constant 80 : index
        %get3A_263 = tpu.vector_load %arg7[%get3A_261, %get3A_262] {strides = array<i32>} : memref<398x128xf32, #tpu.memory_space<vmem>>, vector<16xf32>,
        %exp3A_264 = math.exp %get3A_263 : vector<16xf32>
        %mul3A_265 = arith.mulf %exp3A_264, %get3A_259 : vector<16xf32>
        %add3A_266 = arith.addf %add3A_256, %mul3A_265 : vector<16xf32>
        %get3A_267 = arith.index_cast %scan3A_117 : i32 to index
        %get3A_268 = arith.constant 96 : index
        %get3A_269 = tpu.vector_load %arg8[%get3A_267, %get3A_268] {strides = array<i32>} : memref<128x128xf32, #tpu.memory_space<vmem>>, vector<16xf32>,
        %add3A_270 = arith.addi %mul3A_98, %max3A_205 : i32
        %get3A_271 = arith.index_cast %add3A_270 : i32 to index
        %get3A_272 = arith.constant 96 : index
        %get3A_273 = tpu.vector_load %arg7[%get3A_271, %get3A_272] {strides = array<i32>} : memref<398x128xf32, #tpu.memory_space<vmem>>, vector<16xf32>,
        %exp3A_274 = math.exp %get3A_273 : vector<16xf32>
        %mul3A_275 = arith.mulf %exp3A_274, %get3A_269 : vector<16xf32>
        %add3A_276 = arith.addf %add3A_266, %mul3A_275 : vector<16xf32>
        %get3A_277 = arith.index_cast %scan3A_117 : i32 to index
        %get3A_278 = arith.constant 112 : index
        %get3A_279 = tpu.vector_load %arg8[%get3A_277, %get3A_278] {strides = array<i32>} : memref<128x128xf32, #tpu.memory_space<vmem>>, vector<16xf32>,
        %add3A_280 = arith.addi %mul3A_98, %max3A_205 : i32
        %get3A_281 = arith.index_cast %add3A_280 : i32 to index
        %get3A_282 = arith.constant 112 : index
        %get3A_283 = tpu.vector_load %arg7[%get3A_281, %get3A_282] {strides = array<i32>} : memref<398x128xf32, #tpu.memory_space<vmem>>, vector<16xf32>,
        %exp3A_284 = math.exp %get3A_283 : vector<16xf32>
        %mul3A_285 = arith.mulf %exp3A_284, %get3A_279 : vector<16xf32>
        %add3A_286 = arith.addf %add3A_276, %mul3A_285 : vector<16xf32>
        %reduce_sum3A = arith.constant true
        %reduce_sum3A_287 = vector.broadcast %reduce_sum3A : i1 to vector<16xi1>
        %reduce_sum3A_288 = tpu.scan <sum>, %add3A_286 masked %reduce_sum3A_287 : vector<16xf32>, vector<16xi1> -> vector<16xf32>
        %reduce_sum3A_289 = vector.extract %reduce_sum3A_288[15] : f32 from vector<16xf32>
        %broadcast_in_dim3A_290 = arith.constant 1.000000e+00 : f32
        %broadcast_in_dim3A_291 = vector.broadcast %broadcast_in_dim3A_290 : f32 to vector<16xf32>
        %broadcast_in_dim3A_292 = vector.broadcast %reduce_sum3A_289 : f32 to vector<16xf32>
        %div3A = arith.divf %broadcast_in_dim3A_291, %broadcast_in_dim3A_292 : vector<16xf32>
        %mul3A_293 = arith.mulf %mul3A_215, %div3A : vector<16xf32>
        %add3A_294 = arith.addi %mul3A_98, %max3A_205 : i32
        %swap3A = arith.index_cast %add3A_294 : i32 to index
        %swap3A_295 = arith.constant 0 : index
        %swap3A_296 = tpu.vector_load %arg6[%swap3A, %swap3A_295] {strides = array<i32>} : memref<398x128xf32, #tpu.memory_space<vmem>>, vector<16xf32>,
        tpu.vector_store %arg6[%swap3A, %swap3A_295], %mul3A_293 {strides = array<i32>} : memref<398x128xf32, #tpu.memory_space<vmem>>, vector<16xf32>,
        %mul3A_297 = arith.mulf %mul3A_225, %div3A : vector<16xf32>
        %add3A_298 = arith.addi %mul3A_98, %max3A_205 : i32
        %swap3A_299 = arith.index_cast %add3A_298 : i32 to index
        %swap3A_300 = arith.constant 16 : index
        %swap3A_301 = tpu.vector_load %arg6[%swap3A_299, %swap3A_300] {strides = array<i32>} : memref<398x128xf32, #tpu.memory_space<vmem>>, vector<16xf32>,
        tpu.vector_store %arg6[%swap3A_299, %swap3A_300], %mul3A_297 {strides = array<i32>} : memref<398x128xf32, #tpu.memory_space<vmem>>, vector<16xf32>,
        %mul3A_302 = arith.mulf %mul3A_235, %div3A : vector<16xf32>
        %add3A_303 = arith.addi %mul3A_98, %max3A_205 : i32
        %swap3A_304 = arith.index_cast %add3A_303 : i32 to index
        %swap3A_305 = arith.constant 32 : index
        %swap3A_306 = tpu.vector_load %arg6[%swap3A_304, %swap3A_305] {strides = array<i32>} : memref<398x128xf32, #tpu.memory_space<vmem>>, vector<16xf32>,
        tpu.vector_store %arg6[%swap3A_304, %swap3A_305], %mul3A_302 {strides = array<i32>} : memref<398x128xf32, #tpu.memory_space<vmem>>, vector<16xf32>,
        %mul3A_307 = arith.mulf %mul3A_245, %div3A : vector<16xf32>
        %add3A_308 = arith.addi %mul3A_98, %max3A_205 : i32
        %swap3A_309 = arith.index_cast %add3A_308 : i32 to index
        %swap3A_310 = arith.constant 48 : index
        %swap3A_311 = tpu.vector_load %arg6[%swap3A_309, %swap3A_310] {strides = array<i32>} : memref<398x128xf32, #tpu.memory_space<vmem>>, vector<16xf32>,
        tpu.vector_store %arg6[%swap3A_309, %swap3A_310], %mul3A_307 {strides = array<i32>} : memref<398x128xf32, #tpu.memory_space<vmem>>, vector<16xf32>,
        %mul3A_312 = arith.mulf %mul3A_255, %div3A : vector<16xf32>
        %add3A_313 = arith.addi %mul3A_98, %max3A_205 : i32
        %swap3A_314 = arith.index_cast %add3A_313 : i32 to index
        %swap3A_315 = arith.constant 64 : index
        %swap3A_316 = tpu.vector_load %arg6[%swap3A_314, %swap3A_315] {strides = array<i32>} : memref<398x128xf32, #tpu.memory_space<vmem>>, vector<16xf32>,
        tpu.vector_store %arg6[%swap3A_314, %swap3A_315], %mul3A_312 {strides = array<i32>} : memref<398x128xf32, #tpu.memory_space<vmem>>, vector<16xf32>,
        %mul3A_317 = arith.mulf %mul3A_265, %div3A : vector<16xf32>
        %add3A_318 = arith.addi %mul3A_98, %max3A_205 : i32
        %swap3A_319 = arith.index_cast %add3A_318 : i32 to index
        %swap3A_320 = arith.constant 80 : index
        %swap3A_321 = tpu.vector_load %arg6[%swap3A_319, %swap3A_320] {strides = array<i32>} : memref<398x128xf32, #tpu.memory_space<vmem>>, vector<16xf32>,
        tpu.vector_store %arg6[%swap3A_319, %swap3A_320], %mul3A_317 {strides = array<i32>} : memref<398x128xf32, #tpu.memory_space<vmem>>, vector<16xf32>,
        %mul3A_322 = arith.mulf %mul3A_275, %div3A : vector<16xf32>
        %add3A_323 = arith.addi %mul3A_98, %max3A_205 : i32
        %swap3A_324 = arith.index_cast %add3A_323 : i32 to index
        %swap3A_325 = arith.constant 96 : index
        %swap3A_326 = tpu.vector_load %arg6[%swap3A_324, %swap3A_325] {strides = array<i32>} : memref<398x128xf32, #tpu.memory_space<vmem>>, vector<16xf32>,
        tpu.vector_store %arg6[%swap3A_324, %swap3A_325], %mul3A_322 {strides = array<i32>} : memref<398x128xf32, #tpu.memory_space<vmem>>, vector<16xf32>,
        %mul3A_327 = arith.mulf %mul3A_285, %div3A : vector<16xf32>
        %add3A_328 = arith.addi %mul3A_98, %max3A_205 : i32
        %swap3A_329 = arith.index_cast %add3A_328 : i32 to index
        %swap3A_330 = arith.constant 112 : index
        %swap3A_331 = tpu.vector_load %arg6[%swap3A_329, %swap3A_330] {strides = array<i32>} : memref<398x128xf32, #tpu.memory_space<vmem>>, vector<16xf32>,
        tpu.vector_store %arg6[%swap3A_329, %swap3A_330], %mul3A_327 {strides = array<i32>} : memref<398x128xf32, #tpu.memory_space<vmem>>, vector<16xf32>,
        scf.yield %reduce_min3A_202 : i32
      }
      %scan3A_105 = arith.constant 200 : i32
      %eq3A_106 = arith.constant 0 : i32
      %eq3A_107 = arith.cmpi eq, %rem3A_53, %eq3A_106 : i32
      %convert_element_type3A_108 = arith.extui %eq3A_107 : i1 to i32
      %cond3A_109 = arith.constant 0 : i32
      %cond3A_110 = arith.cmpi ne, %convert_element_type3A_108, %cond3A_109 : i32
      scf.if %cond3A_110 {
        %dma_start3A_116 = arith.constant 0 : i32
        %dma_start3A_117 = arith.constant 0 : i32
        %dma_start3A_118 = tpu.memref_slice %arg6[%dma_start3A_116, %dma_start3A_117] : memref<398x128xf32, #tpu.memory_space<vmem>> -> memref<199x128xf32, #tpu.memory_space<vmem>>
        %dma_start3A_119 = arith.constant 0 : i32
        %dma_start3A_120 = arith.constant 0 : i32
        %dma_start3A_121 = tpu.memref_slice %arg5[%add3A_52, %dma_start3A_119, %dma_start3A_120] : memref<1024x199x128xf32, #tpu.memory_space<hbm>> -> memref<1x199x128xf32, #tpu.memory_space<hbm>>
        %dma_start3A_122 = tpu.memref_squeeze %dma_start3A_121 : memref<1x199x128xf32, #tpu.memory_space<hbm>> -> memref<199x128xf32, #tpu.memory_space<hbm>>
        %dma_start3A_123 = arith.constant 0 : i32
        %dma_start3A_124 = arith.constant 0 : i32
        %dma_start3A_125 = tpu.memref_slice %arg5[%add3A_52, %dma_start3A_123, %dma_start3A_124] : memref<1024x199x128xf32, #tpu.memory_space<hbm>> -> memref<1x199x128xf32, #tpu.memory_space<hbm>>
        %dma_start3A_126 = tpu.memref_squeeze %dma_start3A_125 : memref<1x199x128xf32, #tpu.memory_space<hbm>> -> memref<199x128xf32, #tpu.memory_space<hbm>>
        %dma_start3A_127 = arith.constant 0 : i32
        %dma_start3A_128 = arith.constant 0 : i32
        %dma_start3A_129 = tpu.memref_slice %arg6[%dma_start3A_127, %dma_start3A_128] : memref<398x128xf32, #tpu.memory_space<vmem>> -> memref<199x128xf32, #tpu.memory_space<vmem>>
        tpu.enqueue_dma source(%dma_start3A_129 : memref<199x128xf32, #tpu.memory_space<vmem>>) target(%dma_start3A_126 : memref<199x128xf32, #tpu.memory_space<hbm>>) target_semaphore(%arg10 : memref<!tpu.dma_semaphore, #tpu.memory_space<semaphore_mem>>)
      } else {
      }
      %eq3A_111 = arith.constant 1 : i32
      %eq3A_112 = arith.cmpi eq, %rem3A_53, %eq3A_111 : i32
      %convert_element_type3A_113 = arith.extui %eq3A_112 : i1 to i32
      %cond3A_114 = arith.constant 0 : i32
      %cond3A_115 = arith.cmpi ne, %convert_element_type3A_113, %cond3A_114 : i32
      scf.if %cond3A_115 {
        %dma_start3A_116 = arith.constant 199 : i32
        %dma_start3A_117 = arith.constant 0 : i32
        %dma_start3A_118 = tpu.memref_slice %arg6[%dma_start3A_116, %dma_start3A_117] : memref<398x128xf32, #tpu.memory_space<vmem>> -> memref<199x128xf32, #tpu.memory_space<vmem>>
        %dma_start3A_119 = arith.constant 0 : i32
        %dma_start3A_120 = arith.constant 0 : i32
        %dma_start3A_121 = tpu.memref_slice %arg5[%add3A_52, %dma_start3A_119, %dma_start3A_120] : memref<1024x199x128xf32, #tpu.memory_space<hbm>> -> memref<1x199x128xf32, #tpu.memory_space<hbm>>
        %dma_start3A_122 = tpu.memref_squeeze %dma_start3A_121 : memref<1x199x128xf32, #tpu.memory_space<hbm>> -> memref<199x128xf32, #tpu.memory_space<hbm>>
        %dma_start3A_123 = arith.constant 0 : i32
        %dma_start3A_124 = arith.constant 0 : i32
        %dma_start3A_125 = tpu.memref_slice %arg5[%add3A_52, %dma_start3A_123, %dma_start3A_124] : memref<1024x199x128xf32, #tpu.memory_space<hbm>> -> memref<1x199x128xf32, #tpu.memory_space<hbm>>
        %dma_start3A_126 = tpu.memref_squeeze %dma_start3A_125 : memref<1x199x128xf32, #tpu.memory_space<hbm>> -> memref<199x128xf32, #tpu.memory_space<hbm>>
        %dma_start3A_127 = arith.constant 199 : i32
        %dma_start3A_128 = arith.constant 0 : i32
        %dma_start3A_129 = tpu.memref_slice %arg6[%dma_start3A_127, %dma_start3A_128] : memref<398x128xf32, #tpu.memory_space<vmem>> -> memref<199x128xf32, #tpu.memory_space<vmem>>
        tpu.enqueue_dma source(%dma_start3A_129 : memref<199x128xf32, #tpu.memory_space<vmem>>) target(%dma_start3A_126 : memref<199x128xf32, #tpu.memory_space<hbm>>) target_semaphore(%arg10 : memref<!tpu.dma_semaphore, #tpu.memory_space<semaphore_mem>>)
      } else {
      }
    }
    %scan3A_34 = arith.constant 32 : i32
    %add3A_35 = arith.constant 32 : i32
    %add3A_36 = arith.addi %mul3A_2, %add3A_35 : i32
    %sub3A = arith.constant 1 : i32
    %sub3A_37 = arith.subi %add3A_36, %sub3A : i32
    %dma_wait3A = arith.constant 0 : i32
    %dma_wait3A_38 = arith.constant 0 : i32
    %dma_wait3A_39 = tpu.memref_slice %arg6[%dma_wait3A, %dma_wait3A_38] : memref<398x128xf32, #tpu.memory_space<vmem>> -> memref<199x128xf32, #tpu.memory_space<vmem>>
    %dma_wait3A_40 = arith.constant 0 : i32
    %dma_wait3A_41 = arith.constant 0 : i32
    %dma_wait3A_42 = tpu.memref_slice %arg5[%sub3A_37, %dma_wait3A_40, %dma_wait3A_41] : memref<1024x199x128xf32, #tpu.memory_space<hbm>> -> memref<1x199x128xf32, #tpu.memory_space<hbm>>
    %dma_wait3A_43 = tpu.memref_squeeze %dma_wait3A_42 : memref<1x199x128xf32, #tpu.memory_space<hbm>> -> memref<199x128xf32, #tpu.memory_space<hbm>>
    %dma_wait3A_44 = arith.constant 0 : i32
    %dma_wait3A_45 = arith.constant 0 : i32
    %dma_wait3A_46 = tpu.memref_slice %arg5[%sub3A_37, %dma_wait3A_44, %dma_wait3A_45] : memref<1024x199x128xf32, #tpu.memory_space<hbm>> -> memref<1x199x128xf32, #tpu.memory_space<hbm>>
    %dma_wait3A_47 = tpu.memref_squeeze %dma_wait3A_46 : memref<1x199x128xf32, #tpu.memory_space<hbm>> -> memref<199x128xf32, #tpu.memory_space<hbm>>
    %dma_wait3A_48 = arith.constant 0 : i32
    %dma_wait3A_49 = arith.constant 0 : i32
    %dma_wait3A_50 = tpu.memref_slice %arg6[%dma_wait3A_48, %dma_wait3A_49] : memref<398x128xf32, #tpu.memory_space<vmem>> -> memref<199x128xf32, #tpu.memory_space<vmem>>
    tpu.wait_dma2 semaphore(%arg10 : memref<!tpu.dma_semaphore, #tpu.memory_space<semaphore_mem>>) src(%dma_wait3A_50 : memref<199x128xf32, #tpu.memory_space<vmem>>) dst(%dma_wait3A_47 : memref<199x128xf32, #tpu.memory_space<hbm>>)
    return
  }
}

module attributes {stable_mosaic.version = 14 : i64} {
  func.func @_w_table_body(%arg0: memref<32x128xf32, #tpu.memory_space<vmem>>, %arg1: memref<1x128xi32, #tpu.memory_space<vmem>>, %arg2: memref<128x128xf32, #tpu.memory_space<vmem>>) attributes {dimension_semantics = [], scalar_prefetch = 0 : i64, scratch_operands = 0 : i64, tpu.core_type = #tpu.core_type<tc>} {
    %get3A = arith.constant 0 : index
    %get3A_0 = arith.constant 0 : index
    %get3A_1 = vector.load %arg1[%get3A, %get3A_0] : memref<1x128xi32, #tpu.memory_space<vmem>>, vector<1x128xi32>
    %iota3A = tpu.iota {dimensions = array<i32: 0>} : vector<32x128xi32>
    %eq3A = vector.broadcast %get3A_1 : vector<1x128xi32> to vector<32x128xi32>
    %eq3A_2 = arith.cmpi eq, %eq3A, %iota3A : vector<32x128xi32>
    %convert_element_type3A = arith.extui %eq3A_2 : vector<32x128xi1> to vector<32x128xi32>
    %convert_element_type3A_3 = arith.sitofp %convert_element_type3A : vector<32x128xi32> to vector<32x128xf32>
    %get3A_4 = arith.constant 0 : index
    %get3A_5 = arith.constant 0 : index
    %get3A_6 = vector.load %arg0[%get3A_4, %get3A_5] : memref<32x128xf32, #tpu.memory_space<vmem>>, vector<32x128xf32>
    %dot_general3A = arith.constant dense<0.000000e+00> : vector<128x128xf32>
    %dot_general3A_7 = tpu.matmul %convert_element_type3A_3, %get3A_6, %dot_general3A {dimension_numbers = #tpu.dot_dimension_numbers<[0], [0], [1], [1], [0, 1, 1, 1], [], []>, transpose_lhs_hint = false} : vector<32x128xf32>, vector<32x128xf32>, vector<128x128xf32> -> vector<128x128xf32>
    %swap3A = arith.constant 0 : index
    %swap3A_8 = arith.constant 0 : index
    %swap3A_9 = vector.load %arg2[%swap3A, %swap3A_8] : memref<128x128xf32, #tpu.memory_space<vmem>>, vector<128x128xf32>
    tpu.vector_store %arg2[%swap3A, %swap3A_8], %dot_general3A_7 {strides = array<i32>} : memref<128x128xf32, #tpu.memory_space<vmem>>, vector<128x128xf32>,
    return
  }
}

</mosaic_0001>

<sc_bundles>
// kernel: kernel.4.cloned.1.call-start
scs
__scs_entry_jumppad:
0x0: {  	(pc) =	sbr.rel $0x88, $3  }
0x1: {  	(tag) =	ssettag $0x0;
	lr =	simm.s32 $0x1  }
0x2: {  	[smem:$0x3F9D] =	sst lr;
	_ =	strace $0xD0000000  }
0x3: {  	_ = 	snop  }
0x4: {  	_ = 	snop  }
0x5: {  	_ = 	snop  }
0x6: {  	_ = 	snop  }
0x7: {  	_ = 	snop  }
__scs_overlays_trampoline_lowered:
0x8: {  	[smem:$0x3FAC] =	sst s0  }
0x9: {  	[smem:$0x3FAD] =	sst s1  }
0xa: {  	[smem:$0x3FAE] =	sst s2  }
0xb: {  	[smem:$0x3FAF] =	sst s3  }
0xc: {  	[smem:$0x3FB0] =	sst s4  }
0xd: {  	[smem:$0x3FB1] =	sst s5  }
0xe: {  	[smem:$0x3FB2] =	sst s6  }
0xf: {  	[smem:$0x3FB3] =	sst s7  }
0x10: {  	[smem:$0x3FB4] =	sst s8  }
0x11: {  	[smem:$0x3FB5] =	sst s9;
	s0 =	simm.s32 @!p0 $0x0  }
0x12: {  	s1 =	sld [smem:$0x3F9B];
	s0 =	simm.s32 @p0 $0x1  }
0x13: {  	[smem:$0x3FB6] =	sst s0;
	s0 =	simm.s32 @!p1 $0x0  }
0x14: {  	s2 =	sld [smem:$0x3F9A];
	s0 =	simm.s32 @p1 $0x1  }
0x15: {  	[smem:$0x3FB7] =	sst s0;
	s0 =	simm.s32 @!p2 $0x0  }
0x16: {  	s3 =	sld [smem:$0x3FDB];
	s0 =	simm.s32 @p2 $0x1  }
0x17: {  	s4 =	simm.s32 $0x1BF5;
	[smem:$0x3FB9] =	sst s0  }
0x18: {  	s0 =	sld [smem:$0x3F9C];
	_ =	swait.ge [sflag:s4], $0x0  }
0x19: {  	s7 =	sld [smem:$0x3F9D]  }
0x1a: {  	s8 =	sadd.s32 $0xFFFFE003, lr  }
0x1b: {  	s9 =	sadd.s32 $0xFFFFFEF7, lr;
	s5 =	simm.s32 $0xFFFFFFFF;
	p2 =	slt.u32 s8, $0xFFFFF086  }
0x1c: {  	p1 =	slt.u32 s9, $0xF7A;
	s5 =	simm.s32 @!p2 $0x0  }
0x1d: {  	s5 =	simm.s32 @p1 $0x1;
	p0 =	seq.s32 s7, s2  }
0x1e: {  	s7 =	smul.u32 @!p0 $0xF7A, s2;
	p2 =	seq.s32 @!p0 s5, $0x0  }
0x1f: {  	s9 =	smul.u32 $0xF7A, s1;
	s8 =	simm.s32 @!p0 $0x1BF5;
	p2 =	por !p2, p0  }
0x20: {  	[sflag:s8] =	ssyncset.s32 @!p0 $0xFFFFF086;
	s6 =	sadd.s32 @!p0 s3, s7;
	s7 =	simm.s32 @!p0 $0x108  }
0x21: {  	s3 =	sadd.s32 s3, s9;
	s6 =	sadd.s32 @!p0 $0x88, s6;
	s7 =	simm.s32 @p2 $0x1082  }
0x22: {  	[simem:s7], [sflag:s8] =	dma.local @!p0 [hbm:s6], $0xF7A  }
0x23: {  	s9 =	sor.u32 $0xD0000000, s2;
	s6 =	simm.s32 $0x108;
	_ =	swait.ge @!p0 [sflag:s8], $0x0  }
0x24: {  	s3 =	sadd.s32 $0x88, s3;
	s6 =	simm.s32 @!p1 $0x1082;
	[sflag:s4] =	ssyncset.s32 $0xFFFFF086  }
0x25: {  	[simem:s6], [sflag:s4] =	dma.local [hbm:s3], $0xF7A  }
0x26: {  	[smem:$0x3F9D] =	sst s1;
	(tag) =	ssettag s2;
	_ =	strace s9  }
0x27: {  	s1 =	sld [smem:$0x3FAD]  }
0x28: {  	s2 =	sld [smem:$0x3FAE]  }
0x29: {  	s4 =	sld [smem:$0x3FB0]  }
0x2a: {  	p0 =	seq.s32 s5, $0x0;
	s5 =	sld [smem:$0x3FB1]  }
0x2b: {  	s6 =	sld [smem:$0x3FB2]  }
0x2c: {  	s7 =	sld [smem:$0x3FB3]  }
0x2d: {  	s3 =	simm.s32 $0x108;
	s8 =	sld [smem:$0x3FB4]  }
0x2e: {  	s3 =	simm.s32 @!p0 $0x1082;
	s9 =	sld [smem:$0x3FB5]  }
0x2f: {  	lr =	sadd.s32 s0, s3;
	s0 =	sld [smem:$0x3FAC]  }
0x30: {  	s3 =	sld [smem:$0x3FAF]  }
0x31: {  	[smem:$0x3FB8] =	sst s10  }
0x32: {  	s10 =	sld [smem:$0x3FB6];
	_ =	sdelay $0x3  }
0x33: {  	p0 =	seq.s32 s10, $0x1;
	s10 =	sld [smem:$0x3FB8];
	_ =	sdelay $0x3  }
0x34: {  	[smem:$0x3FB8] =	sst s10  }
0x35: {  	s10 =	sld [smem:$0x3FB7];
	_ =	sdelay $0x3  }
0x36: {  	p1 =	seq.s32 s10, $0x1;
	s10 =	sld [smem:$0x3FB8];
	_ =	sdelay $0x3  }
0x37: {  	[smem:$0x3FB8] =	sst s10  }
0x38: {  	s10 =	sld [smem:$0x3FB9]  }
0x39: {  	_ = 	snop;
	(pc) =	sbr.ind lr, $3  }
0x3a: {  	_ = 	snop  }
0x3b: {  	_ = 	snop  }
0x3c: {  	p2 =	seq.s32 s10, $0x1;
	s10 =	sld [smem:$0x3FB8]  }
0x3d: {  	_ =	shalt  }
0x3e: {  	_ =	shalt  }
0x3f: {  	_ =	shalt  }
0x40: {  	_ =	shalt  }
0x41: {  	_ =	shalt  }
0x42: {  	_ =	shalt  }
0x43: {  	_ =	shalt  }
0x44: {  	_ =	shalt  }
0x45: {  	_ =	shalt  }
0x46: {  	_ =	shalt  }
0x47: {  	_ =	shalt  }
0x48: {  	_ =	shalt  }
0x49: {  	_ =	shalt  }
0x4a: {  	_ =	shalt  }
0x4b: {  	_ =	shalt  }
0x4c: {  	_ =	shalt  }
0x4d: {  	_ =	shalt  }
0x4e: {  	_ =	shalt  }
0x4f: {  	_ =	shalt  }
0x50: {  	_ =	shalt  }
0x51: {  	_ =	shalt  }
0x52: {  	_ =	shalt  }
0x53: {  	_ =	shalt  }
0x54: {  	_ =	shalt  }
0x55: {  	_ =	shalt  }
0x56: {  	_ =	shalt  }
0x57: {  	_ =	shalt  }
0x58: {  	_ =	shalt  }
0x59: {  	_ =	shalt  }
0x5a: {  	_ =	shalt  }
0x5b: {  	_ =	shalt  }
0x5c: {  	_ =	shalt  }
0x5d: {  	_ =	shalt  }
0x5e: {  	_ =	shalt  }
0x5f: {  	_ =	shalt  }
0x60: {  	_ =	shalt  }
0x61: {  	_ =	shalt  }
0x62: {  	_ =	shalt  }
0x63: {  	_ =	shalt  }
0x64: {  	_ =	shalt  }
0x65: {  	_ =	shalt  }
0x66: {  	_ =	shalt  }
0x67: {  	_ =	shalt  }
0x68: {  	_ =	shalt  }
0x69: {  	_ =	shalt  }
0x6a: {  	_ =	shalt  }
0x6b: {  	_ =	shalt  }
0x6c: {  	_ =	shalt  }
0x6d: {  	_ =	shalt  }
0x6e: {  	_ =	shalt  }
0x6f: {  	_ =	shalt  }
0x70: {  	_ =	shalt  }
0x71: {  	_ =	shalt  }
0x72: {  	_ =	shalt  }
0x73: {  	_ =	shalt  }
0x74: {  	_ =	shalt  }
0x75: {  	_ =	shalt  }
0x76: {  	_ =	shalt  }
0x77: {  	_ =	shalt  }
0x78: {  	_ =	shalt  }
0x79: {  	_ =	shalt  }
0x7a: {  	_ =	shalt  }
0x7b: {  	_ =	shalt  }
0x7c: {  	_ =	shalt  }
0x7d: {  	_ =	shalt  }
0x7e: {  	_ =	shalt  }
0x7f: {  	_ =	shalt  }
0x80: {  	_ =	shalt  }
0x81: {  	_ =	shalt  }
0x82: {  	_ =	shalt  }
0x83: {  	_ =	shalt  }
0x84: {  	_ =	shalt  }
0x85: {  	_ =	shalt  }
0x86: {  	_ =	shalt  }
0x87: {  	_ =	shalt  }
.Lfunc_end0:
.L_simem_size_0:
called_computation_lowered:
.L_overlay_start_0:
0x88: {  	s2 =	sld [smem:$0x3FD9]  }
0x89: {  	s3 =	sld [smem:$0x3FFE];
	_ =	sdelay $0x1  }
0x8a: {  	s1 =	srdreg.scid  }
0x8b: {  	s0 =	sand.u32 $0x1, s1  }
0x8c: {  	s17 =	sshll.u32 s0, $0xA;
	s2 =	sadd.s32 s3, s2  }
0x8d: {  	s2 =	sadd.s32 s2, s17  }
0x8e: {  	[smem:$0x3FC4] =	sst s2  }
0x8f: {  	_ = 	snop  }
0x90: {  	s2 =	sld [smem:$0x3FD0];
	(tm) =	ssettm $0x1  }
0x91: {  	s18 =	sld [smem:$0x3FFB];
	_ =	sdelay $0x3  }
0x92: {  	_ =	strace s18  }
0x93: {  	s3 =	sld [smem:$0x3FFC];
	_ =	sdelay $0x3  }
0x94: {  	_ =	strace s3  }
0x95: {  	s3 =	sld [smem:$0x3FFD];
	_ =	sdelay $0x3  }
0x96: {  	_ =	strace s3  }
0x97: {  	_ =	strace $0x8FFFFFFF  }
0x98: {  	s19 =	sld [smem:$0x3FDB];
	_ =	sdelay $0x1  }
0x99: {  	s4 =	simm.s32 $_scs_section_size  }
0x9a: {  	s5 =	simm.s32 $_size__tile_overlayer_lowered;
	s6 =	simm.s32 $_tile_overlayer_lowered  }
0x9b: {  	s22 =	simm.s32 $0x1BFF;
	s21 =	sshll.u32 s6, $0x1;
	s3 =	sadd.s32 s4, s19  }
0x9c: {  	s7 =	simm.s32 $0x0;
	s20 =	sshll.u32 s5, $0x1;
	s5 =	sadd.s32 s21, s3  }
0x9d: {  	[timem:s7], [sflag:s22] =	dma.local [hbm:s5], s20  }
0x9e: {  	_ =	swait.ge [sflag:s22], s20  }
0x9f: {  	s4 =	ssub.s32 $0x0, s20;
	[sflag:s22] =	ssyncset.done $0x0  }
0xa0: {  	[sflag:s22] =	ssyncadd.s32 s4;
	_ =	sdelay $0x1  }
0xa1: {  	s23 =	simm.s32 $0x1B8B  }
0xa2: {  	_ =	swait.ge [sflag:s23], $0x1  }
0xa3: {  	[sflag:s23] =	ssyncset.done $0x0  }
0xa4: {  	s25 =	simm.s32 $0x1B8E;
	s24 =	sld [smem:$0x3FFE];
	[sflag:s23] =	ssyncadd.s32 $0xFFFFFFFF  }
0xa5: {  	s26 =	simm.s32 $execute0_lowered;
	[smem:$0x3FD2] =	sst s25  }
0xa6: {  	s5 =	sshll.u32 s26, $0x1;
	_ =	strace $0x80000046;
	[dreg:$0x1] =	wrdreg $0xFFFFFFFF  }
0xa7: {  	s28 =	simm.s32 $_size_execute0_lowered;
	s3 =	sadd.s32 s3, s5;
	[dreg:$0x0] =	wrdreg $0x0  }
0xa8: {  	s5 =	sshll.u32 s28, $0x1;
	[dreg:$0x2] =	wrdreg s3  }
0xa9: {  	[dreg:$0x3] =	wrdreg s5  }
0xaa: {  	[dreg:$0x4] =	wrdreg $0xC0  }
0xab: {  	_ =	task [dreg:s7], $0x5FFFF  }
0xac: {  	[dreg:$0x1] =	wrdreg $0xFFFFFFFF  }
0xad: {  	[dreg:$0x0] =	wrdreg $0x60  }
0xae: {  	[dreg:$0x2] =	wrdreg s24  }
0xaf: {  	[dreg:$0x3] =	wrdreg s2  }
0xb0: {  	[dreg:$0x4] =	wrdreg $0x9  }
0xb1: {  	_ =	task.clear_ibuf [dreg:s7], $0x5FFFF;
	_ =	strace $0x90000046  }
0xb2: {  	s29 =	simm.s32 $0x9;
	_ =	strace $0x80000048  }
0xb3: {  	_ =	swait.ge [sflag:s29], $0x1  }
0xb4: {  	[sflag:s29] =	ssyncadd.s32 $0xFFFFFFFF  }
0xb5: {  	_ =	strace $0x90000048  }
0xb6: {  	_ =	sfence  }
0xb7: {  	s30 =	sld [smem:$0x0];
	_ =	sdelay $0x2  }
0xb8: {  	s31 =	sshll.u32 s1, $0xD;
	s1 =	sshrl.u32 s1, $0x2  }
0xb9: {  	s3 =	sand.u32 $0x4000, s31;
	s1 =	sadd.s32 s1, s30  }
0xba: {  	s0 =	sor.u32 s3, s0;
	s1 =	sshll.u32 s1, $0x11  }
0xbb: {  	s0 =	sor.u32 s1, s0  }
0xbc: {  	s0 =	sadd.s32 $0x8F2B, s0  }
0xbd: {  	[sflag:s0] =	ssyncadd.remote.s32 $0x1  }
0xbe: {  	_ =	sfence.sel $0xFFFF  }
0xbf: {  	[dreg:$0x0] =	wrdreg $0xFFFFFFFF;
	(pc) =	sbr.abs _section_cstart, $3  }
0xc0: {  	[dreg:$0x1] =	wrdreg $0xFFFFFFFF  }
0xc1: {  	_ =	task.clear_ibuf [dreg:s7], $0x2FFFF;
	_ =	strace $0x9FFFFFFF  }
0xc2: {  	(tm) =	ssettm $0x7FFFFFFF  }
0xc3: {  	_ =	shalt  }
tec
execute0_lowered:
.L_overlay_start_1:
0x0: {  	(tag) =	ssettag $0x1  }
0x1: {  	s7 =	rddreg [dreg:$0x0]  }
0x2: {  	s2 =	rddreg [dreg:$0x1]  }
0x3: {  	s0 =	rddreg [dreg:$0x2]  }
0x4: {  	s4 =	srdreg.scid;
	s3 =	simm.s32 $0x0;
	s1 =	stileid.u32  }
0x5: {  	s10 =	simm.s32 $0xC800;
	s11 =	simm.s32 $0x6380;
	s12 =	simm.s32 $0x12B80  }
0x6: {  	s15 =	simm.s32 $0x3;
	s16 =	simm.s32 $0x1;
	s17 =	simm.s32 $0x2  }
0x7: {  	s18 =	simm.s32 $0x0;
	s6 =	sand.u32 $0x1, s4;
	[smem:$0x7FF] =	sst s3  }
0x8: {  	v7 =	vlaneseq.u32;
	s31 =	sshll.u32 s1, $0x6;
	s5 =	sshll.u32 s6, $0x5;
	_ =	strace $0x80000047  }
0x9: {  	v1 =	vor.u32 $0x80000010, v7;
	s8 =	ssub.s32 $0x2, s6;
	s6 =	sadd.s32 $0x320A00, s7;
	s4 =	sor.u32 s5, s31  }
0xa: {  	v2 =	vor.u32 $0x80000020, v7;
	v3 =	vor.u32 $0x80000030, v7;
	s5 =	sadd.s32 $0xA00, s7;
	s9 =	sshrl.u32 s8, $0x1;
	s13 =	smul.u32 $0xC80, s4  }
0xb: {  	v0 =	vor.u32 $0x80000000, v7;
	v4 =	vor.u32 $0x80000040, v7;
	s7 =	sadd.s32 $0x640A00, s7;
	s14 =	ssub.s32 s8, s9;
	s9 =	simm.s32 $0x19000  }
0xc: {  	v5 =	vor.u32 $0x80000050, v7;
	v6 =	vor.u32 $0x80000060, v7;
	v7 =	vor.u32 $0x80000070, v7;
	s14 =	smax.u32 s14, $0x1;
	s8 =	sadd.s32 s5, s13;
	s13 =	sadd.s32 s6, s13  }
.LBB2_1:
0xd: {  	[tilespmem:s9], [sflag:$0x3] =	stream.linear.gather [hbm4b:s2+s3], $0x4000, $0x38;
	[tilespmem:$0x1D000] =	vst v63  }
0xe: {  	_ =	swait.ge [sflag:s15], $0x4000  }
0xf: {  	[sflag:s15] =	ssyncset.done $0x0  }
0x10: {  	[sflag:s15] =	ssyncadd.s32 $0xFFFFC000  }
0x11: {  	[tilespmem:s3], [sflag:$0x1] =	stream.linear.gather [hbm4b:s8+s3], $0x6380, $0x38;
	[tilespmem:$0x1D000] =	vst v63  }
0x12: {  	s19 =	simm.s32 $0x0  }
0x13: {  	[tilespmem:s10], [sflag:$0x1] =	stream.linear.gather [hbm4b:s13+s3], $0x6380, $0x38;
	[tilespmem:$0x1D000] =	vst v63  }
.LBB2_2:
0x14: {  	_ =	swait.ge [sflag:s16], $0x6380  }
0x15: {  	p1 =	seq.s32 s19, $0x0;
	s21 =	sand.u32 $0x1, s19;
	[sflag:s16] =	ssyncset.done $0x0  }
0x16: {  	p0 =	sne.s32 @!p1 s21, $0x0;
	[sflag:s16] =	ssyncadd.s32 $0xFFFF9C80  }
0x17: {  	p3 =	por p1, !p0;
	_ =	swait.ge [sflag:s16], $0x6380  }
.Ltmp0:
0x18: {  	[sflag:s16] =	ssyncset.done $0x0;
	(pc) =	sbr.rel @!p3 .LBB2_4-.Ltmp0, $4  }
0x19: {  	s22 =	simm.s32 @!p1 $0x2;
	[sflag:s16] =	ssyncadd.s32 $0xFFFF9C80  }
0x1a: {  	_ =	swait.ge @!p1 [sflag:s22], $0x6380  }
0x1b: {  	s20 =	sor.u32 s4, s19;
	[sflag:s22] =	ssyncset.done @!p1 $0x0  }
0x1c: {  	p2 =	sne.s32 @!p1 s19, $0x1F;
	p0 =	por @!p1 $0x0, $0x0;
	[sflag:s22] =	ssyncadd.s32 @!p1 $0xFFFF9C80  }
0x1d: {  	s22 =	smul.u32 $0x6400, s20;
	_ =	sdelay $0x1  }
0x1e: {  	s22 =	sshrl.u32 s22, $0x3  }
0x1f: {  	p3 =	por $0x1, $0x1;
	s22 =	sadd.s32 $0xC80, s22  }
0x20: {  	p3 =	por @!p1 p2, p2;
	s23 =	sadd.s32 s5, s22  }
0x21: {  	[tilespmem:s11], [sflag:$0x1] =	stream.linear.gather [hbm4b:s23+s3], $0x6380, $0x38;
	[tilespmem:$0x1D000] =	vst v63  }
0x22: {  	p0 =	por $0x1, $0x1;
	p2 =	por p3, p3;
	s22 =	sadd.s32 s6, s22  }
0x23: {  	[tilespmem:s12], [sflag:$0x1] =	stream.linear.gather [hbm4b:s22+s3], $0x6380, $0x38;
	[tilespmem:$0x1D000] =	vst v63  }
.LBB2_4:
0x24: {  	p1 =	seq.s32 s21, $0x1  }
0x25: {  	p2 =	por !p1, !p2  }
0x26: {  	s22 =	smul.u32 @!p2 $0x6400, s20;
	_ =	sdelay $0x1  }
0x27: {  	s22 =	sshrl.u32 @!p2 s22, $0x3  }
0x28: {  	s22 =	sadd.s32 @!p2 $0xC80, s22  }
0x29: {  	s21 =	smul.u32 $0xC7, s21;
	s24 =	simm.s32 @!p2 $0x0;
	s23 =	sadd.s32 @!p2 s5, s22  }
0x2a: {  	[tilespmem:s24], [sflag:$0x1] =	stream.linear.gather @!p2 [hbm4b:s23+s24], $0x6380, $0x38;
	[tilespmem:$0x1D000] =	vst v63  }
0x2b: {  	s29 =	simm.s32 $0x0;
	s22 =	sadd.s32 @!p2 s6, s22;
	s23 =	simm.s32 @!p2 $0xC800  }
0x2c: {  	[tilespmem:s23], [sflag:$0x1] =	stream.linear.gather @!p2 [hbm4b:s22+s24], $0x6380, $0x38;
	[tilespmem:$0x1D000] =	vst v63  }
0x2d: {  	s30 =	smax.u32 s29, $0x1;
	s23 =	sadd.s32 $0x1FFFFFF, s21  }
0x2e: {  	s22 =	sadd.s32 s30, s23  }
0x2f: {  	s22 =	sshll.u32 s22, $0x7  }
0x30: {  	v8 =	vld [tilespmem:s22+$0xC800];
	_ =	sdelay $0x1  }
0x31: {  	v9 =	vld [tilespmem:s22+$0xC810];
	_ =	sdelay $0x1  }
0x32: {  	s25 =	simm.s32 $0x0;
	v10 =	vld [tilespmem:s22+$0xC820]  }
0x33: {  	v15 =	vld [tilespmem:s25+$0x19000];
	v8 =	vmul.f32 $1.442695020e+00, v8  }
0x34: {  	v11 =	vld [tilespmem:s22+$0xC830]  }
0x35: {  	s24 =	smin.u32 s29, $0xC6;
	v12 =	vld [tilespmem:s22+$0xC840];
	v9 =	vmul.f32 $1.442695020e+00, v9;
	(erf) = vpow2.f32 v8  }
0x36: {  	s24 =	sadd.s32 s21, s24;
	v13 =	vld [tilespmem:s22+$0xC850]  }
0x37: {  	s24 =	sshll.u32 s24, $0x7;
	v8 =	vld [tilespmem:s22+$0xC860];
	(erf) = vpow2.f32 v9;
	v9 =	vmul.f32 $1.442695020e+00, v10  }
0x38: {  	v10 =	vld [tilespmem:s24+$0x0]  }
0x39: {  	v11 =	vmul.f32 $1.442695020e+00, v11;
	(erf) = vpow2.f32 v9;
	v9 =	vld [tilespmem:s24+$0x10]  }
0x3a: {  	v14 =	vld [tilespmem:s22+$0xC870]  }
0x3b: {  	v12 =	vmul.f32 $1.442695020e+00, v12;
	(erf) = vpow2.f32 v11;
	v11 =	vld [tilespmem:s24+$0x20]  }
0x3c: {  	v16 =	vld [tilespmem:s25+$0x19010]  }
0x3d: {  	v17 =	vld [tilespmem:s24+$0x30];
	v13 =	vmul.f32 $1.442695020e+00, v13;
	(erf) = vpow2.f32 v12  }
0x3e: {  	v18 =	vld [tilespmem:s25+$0x19020];
	v12 =	vmul.f32 $1.442695020e+00, v8;
	vm0 =	vgt.f32 v9, v10;
	v8 =	vpop (erf)  }
0x3f: {  	v19 =	vld [tilespmem:s24+$0x40];
	(erf) = vpow2.f32 v13;
	v10 =	vsel vm0, v9, v10;
	v8 =	vmul.f32 v8, v15  }
0x40: {  	v13 =	vmul.f32 $1.442695020e+00, v14;
	v14 =	vld [tilespmem:s25+$0x19030];
	v9 =	vpop (erf);
	(erf) = vpow2.f32 v12;
	vm1 =	vgt.f32 v11, v10  }
0x41: {  	v15 =	vld [tilespmem:s24+$0x50];
	v9 =	vmul.f32 v9, v16;
	v11 =	vsel vm1, v11, v10;
	v12 =	vadd.f32 $0.0e+00, v8  }
0x42: {  	v16 =	vld [tilespmem:s25+$0x19040];
	v10 =	vpop (erf);
	(erf) = vpow2.f32 v13;
	vm2 =	vgt.f32 v17, v11  }
0x43: {  	v10 =	vmul.f32 v10, v18;
	v13 =	vsel vm2, v17, v11;
	v17 =	vld [tilespmem:s24+$0x60];
	v12 =	vadd.f32 v9, v12  }
0x44: {  	v18 =	vld [tilespmem:s25+$0x19050];
	v11 =	vpop (erf);
	vm3 =	vgt.f32 v19, v13  }
0x45: {  	v11 =	vmul.f32 v11, v14;
	v13 =	vsel vm3, v19, v13;
	v19 =	vld [tilespmem:s24+$0x70];
	v12 =	vadd.f32 v10, v12  }
0x46: {  	v14 =	vld [tilespmem:s25+$0x19060];
	v20 =	vpop (erf);
	vm4 =	vgt.f32 v15, v13  }
0x47: {  	v15 =	vsel vm4, v15, v13;
	v21 =	vadd.f32 v11, v12;
	v12 =	vmul.f32 v20, v16  }
0x48: {  	v16 =	vld [tilespmem:s25+$0x19070];
	v13 =	vpop (erf);
	vm5 =	vgt.f32 v17, v15  }
0x49: {  	v13 =	vmul.f32 v13, v18;
	v15 =	vsel vm5, v17, v15;
	v20 =	vadd.f32 v12, v21  }
0x4a: {  	v17 =	vpop (erf)  }
0x4b: {  	vm6 =	vgt.f32 v19, v15;
	v14 =	vmul.f32 v17, v14;
	v18 =	vadd.f32 v13, v20  }
0x4c: {  	v17 =	vsel vm6, v19, v15;
	v15 =	vpop (erf)  }
0x4d: {  	v15 =	vmul.f32 v15, v16;
	v18 =	vadd.f32 v14, v18  }
0x4e: {  	(xrf0) =	vmax.scan.msk.f32 $0xffff, v17  }
0x4f: {  	v16 =	vadd.f32 v15, v18  }
0x50: {  	v18 =	vsel vm0, v1, v0  }
0x51: {  	v18 =	vsel vm1, v2, v18;
	(xrf2) =	vadd.scan.msk.f32 $0xffff, v16;
	_ =	sdelay $0x1  }
0x52: {  	v16 =	vsel vm2, v3, v18  }
0x53: {  	v16 =	vsel vm3, v4, v16;
	v18, _, _ =	vpop (xrf0)  }
0x54: {  	v16 =	vsel vm4, v5, v16;
	v18 =	vbroadcast v18, $0xF  }
0x55: {  	v16 =	vsel vm5, v6, v16  }
0x56: {  	v16 =	vsel vm6, v7, v16;
	vm15 =	veq.f32 v17, v18  }
0x57: {  	v16 =	vnsel vm15, $0x80000080, v16  }
0x58: {  	(xrf0) =	vmin.scan.msk.u32 $0xffff, v16;
	_ =	sdelay $0x1  }
0x59: {  	s24 =	simm.s32 $0x1;
	v16, _, _ =	vpop (xrf2)  }
0x5a: {  	s31 =	smax.u32 s24, $0x1;
	v16 =	vbroadcast v16, $0xF  }
0x5b: {  	s25 =	sadd.s32 s31, s23  }
0x5c: {  	s25 =	sshll.u32 s25, $0x7;
	(erf) = vrcp.f32 v16  }
0x5d: {  	v18 =	vld [tilespmem:s25+$0xC800];
	v19, _, _ =	vpop (xrf0)  }
0x5e: {  	v17 =	vld [tilespmem:s25+$0xC810];
	(v2sf) =	vpush v19, $0xF  }
0x5f: {  	s26 =	simm.s32 $0x2;
	v16 =	vld [tilespmem:s25+$0xC820]  }
.LBB2_5:
0x60: {  	p2 =	sne.s32 s26, $0xC7;
	v19 =	vld [tilespmem:s25+$0xC830];
	s28 =	smov.u32 s26;
	s26 =	sadd.s32 $0x1, s26  }
0x61: {  	v20 =	vld [tilespmem:s25+$0xC840]  }
0x62: {  	v18 =	vmul.f32 $1.442695020e+00, v18;
	v21 =	vld [tilespmem:s25+$0xC850]  }
0x63: {  	v24 =	vmul.f32 $1.442695020e+00, v17;
	v22 =	vld [tilespmem:s25+$0xC860]  }
0x64: {  	v23 =	vld [tilespmem:s25+$0xC870];
	(erf) = vpow2.f32 v18  }
0x65: {  	(erf) = vpow2.f32 v24;
	v17 =	vpop (erf)  }
0x66: {  	v18 =	vmul.f32 $1.442695020e+00, v19;
	v8 =	vmul.f32 v17, v8  }
0x67: {  	v9 =	vmul.f32 v17, v9;
	v10 =	vmul.f32 v17, v10  }
0x68: {  	[tilespmem:s22+$0x0] =	vst v8;
	v8 =	vmul.f32 v17, v11;
	v11 =	vmul.f32 v17, v12  }
0x69: {  	v12 =	vmul.f32 v17, v14;
	[tilespmem:s22+$0x20] =	vst v10;
	v10 =	vmul.f32 v17, v13  }
0x6a: {  	v13 =	vmul.f32 $1.442695020e+00, v16;
	v16 =	vmul.f32 v17, v15;
	[tilespmem:s22+$0x30] =	vst v8  }
0x6b: {  	v14 =	vmul.f32 $1.442695020e+00, v20;
	v15 =	vmul.f32 $1.442695020e+00, v21;
	[tilespmem:s22+$0x10] =	vst v9  }
0x6c: {  	s29 =	smin.u32 s24, $0xC6;
	s24 =	smov.u32 s28;
	v9 =	vmul.f32 $1.442695020e+00, v22;
	(erf) = vpow2.f32 v13;
	[tilespmem:s22+$0x70] =	vst v16  }
0x6d: {  	s28 =	sadd.s32 s21, s29;
	v13 =	vmul.f32 $1.442695020e+00, v23;
	v8 =	vpop (erf);
	[tilespmem:s22+$0x60] =	vst v12;
	s29 =	spop (v2sf)  }
0x6e: {  	s28 =	sshll.u32 s28, $0x7;
	s29 =	sshll.u32 s29, $0x9;
	v12 =	vpop (erf);
	(erf) = vpow2.f32 v18;
	[tilespmem:s22+$0x50] =	vst v10  }
0x6f: {  	v10 =	vld [tilespmem:s28+$0x0];
	[tilespmem:s22+$0x40] =	vst v11;
	s22 =	smov.u32 s25  }
0x70: {  	s25 =	sshra.s32 s29, $0x2;
	v11 =	vld [tilespmem:s28+$0x20]  }
0x71: {  	v16 =	vld [tilespmem:s25+$0x19000]  }
0x72: {  	v17 =	vld [tilespmem:s28+$0x10]  }
0x73: {  	v18 =	vld [tilespmem:s25+$0x19010]  }
0x74: {  	v19 =	vld [tilespmem:s28+$0x30];
	(erf) = vpow2.f32 v14  }
0x75: {  	v14 =	vld [tilespmem:s25+$0x19020];
	v20 =	vpop (erf)  }
0x76: {  	v21 =	vld [tilespmem:s28+$0x40];
	v8 =	vmul.f32 v8, v16;
	(erf) = vpow2.f32 v15  }
0x77: {  	vm0 =	vgt.f32 v17, v10;
	v15 =	vld [tilespmem:s25+$0x19030];
	v16 =	vpop (erf);
	(erf) = vpow2.f32 v9  }
0x78: {  	v10 =	vsel vm0, v17, v10;
	v17 =	vadd.f32 $0.0e+00, v8;
	v9 =	vmul.f32 v12, v18  }
0x79: {  	vm1 =	vgt.f32 v11, v10;
	v12 =	vld [tilespmem:s25+$0x19040];
	(erf) = vpow2.f32 v13  }
0x7a: {  	v11 =	vsel vm1, v11, v10;
	v13 =	vld [tilespmem:s28+$0x50];
	v17 =	vadd.f32 v9, v17;
	v10 =	vmul.f32 v20, v14  }
0x7b: {  	vm2 =	vgt.f32 v19, v11;
	v14 =	vld [tilespmem:s25+$0x19050]  }
0x7c: {  	v18 =	vsel vm2, v19, v11;
	v19 =	vld [tilespmem:s28+$0x60];
	v17 =	vadd.f32 v10, v17;
	v11 =	vmul.f32 v16, v15  }
0x7d: {  	vm3 =	vgt.f32 v21, v18;
	v15 =	vld [tilespmem:s25+$0x19060];
	v16 =	vpop (erf)  }
0x7e: {  	v18 =	vsel vm3, v21, v18;
	v20 =	vld [tilespmem:s28+$0x70];
	v17 =	vadd.f32 v11, v17;
	v12 =	vmul.f32 v16, v12  }
0x7f: {  	vm4 =	vgt.f32 v13, v18;
	v16 =	vld [tilespmem:s25+$0x19070];
	v21 =	vpop (erf)  }
0x80: {  	v18 =	vsel vm4, v13, v18;
	v17 =	vadd.f32 v12, v17;
	v13 =	vmul.f32 v21, v14;
	v14 =	vpop (erf)  }
0x81: {  	vm5 =	vgt.f32 v19, v18  }
0x82: {  	v18 =	vsel vm5, v19, v18;
	v17 =	vadd.f32 v13, v17;
	v14 =	vmul.f32 v14, v15;
	v15 =	vpop (erf)  }
0x83: {  	vm6 =	vgt.f32 v20, v18  }
0x84: {  	v18 =	vsel vm6, v20, v18;
	v17 =	vadd.f32 v14, v17;
	v15 =	vmul.f32 v15, v16  }
0x85: {  	(xrf0) =	vmax.scan.msk.f32 $0xffff, v18  }
0x86: {  	v16 =	vadd.f32 v15, v17  }
0x87: {  	v17 =	vsel vm0, v1, v0  }
0x88: {  	v17 =	vsel vm1, v2, v17;
	(xrf2) =	vadd.scan.msk.f32 $0xffff, v16  }
0x89: {  	v16 =	vsel vm2, v3, v17  }
0x8a: {  	v16 =	vsel vm3, v4, v16  }
0x8b: {  	v16 =	vsel vm4, v5, v16;
	v17, _, _ =	vpop (xrf0)  }
0x8c: {  	v16 =	vsel vm5, v6, v16;
	v17 =	vbroadcast v17, $0xF  }
0x8d: {  	v16 =	vsel vm6, v7, v16  }
0x8e: {  	vm0 =	veq.f32 v18, v17  }
0x8f: {  	v16 =	vnsel vm0, $0x80000080, v16  }
0x90: {  	(xrf0) =	vmin.scan.msk.u32 $0xffff, v16;
	_ =	sdelay $0x1  }
0x91: {  	v16, _, _ =	vpop (xrf2)  }
0x92: {  	s25 =	smax.u32 s24, $0x1;
	v17 =	vbroadcast v16, $0xF  }
.Ltmp1:
0x93: {  	s25 =	sadd.s32 s25, s23;
	(pc) =	sbr.rel @p2 .LBB2_5-.Ltmp1, $4  }
0x94: {  	s25 =	sshll.u32 s25, $0x7;
	(erf) = vrcp.f32 v17  }
0x95: {  	v18 =	vld [tilespmem:s25+$0xC800];
	v16, _, _ =	vpop (xrf0)  }
0x96: {  	v17 =	vld [tilespmem:s25+$0xC810];
	(v2sf) =	vpush v16, $0xF  }
0x97: {  	v16 =	vld [tilespmem:s25+$0xC820]  }
0x98: {  	_ =	sdelay $0x3  }
0x99: {  	v19 =	vld [tilespmem:s25+$0xC830]  }
0x9a: {  	v20 =	vld [tilespmem:s25+$0xC840];
	v22 =	vpop (erf)  }
0x9b: {  	v21 =	vld [tilespmem:s25+$0xC850];
	v8 =	vmul.f32 v22, v8  }
0x9c: {  	v23 =	vld [tilespmem:s25+$0xC860];
	v10 =	vmul.f32 v22, v10  }
0x9d: {  	v24 =	vld [tilespmem:s25+$0xC870];
	v9 =	vmul.f32 v22, v9;
	[tilespmem:s22+$0x0] =	vst v8  }
0x9e: {  	v62 =	vmul.f32 $1.442695020e+00, v18;
	v8 =	vmul.f32 v22, v11;
	[tilespmem:s22+$0x20] =	vst v10  }
0x9f: {  	v63 =	vmul.f32 $1.442695020e+00, v17;
	v17 =	vmul.f32 v22, v14;
	[tilespmem:s22+$0x10] =	vst v9  }
0xa0: {  	(erf) = vpow2.f32 v62;
	[tilespmem:s22+$0x30] =	vst v8;
	v8 =	vmul.f32 v22, v15  }
0xa1: {  	(erf) = vpow2.f32 v63;
	v18 =	vmul.f32 v22, v13;
	[tilespmem:s22+$0x60] =	vst v17  }
0xa2: {  	[tilespmem:s22+$0x70] =	vst v8;
	v8 =	vmul.f32 v22, v12;
	v22 =	vmul.f32 $1.442695020e+00, v16;
	s23 =	spop (v2sf)  }
0xa3: {  	[tilespmem:s22+$0x50] =	vst v18;
	s23 =	sshll.u32 s23, $0x9  }
0xa4: {  	[tilespmem:s22+$0x40] =	vst v8;
	v8 =	vmul.f32 $1.442695020e+00, v19;
	(erf) = vpow2.f32 v22;
	s29 =	sshra.s32 s23, $0x2  }
0xa5: {  	v9 =	vld [tilespmem:s29+$0x19000]  }
0xa6: {  	v25 =	vmul.f32 $1.442695020e+00, v20;
	(erf) = vpow2.f32 v8  }
0xa7: {  	s30 =	smin.u32 s24, $0xC6;
	v8 =	vld [tilespmem:s29+$0x19010]  }
0xa8: {  	s21 =	sadd.s32 s21, s30;
	v26 =	vmul.f32 $1.442695020e+00, v21;
	(erf) = vpow2.f32 v25  }
0xa9: {  	s21 =	sshll.u32 s21, $0x7;
	v27 =	vmul.f32 $1.442695020e+00, v23;
	v28 =	vpop (erf);
	v29 =	vld [tilespmem:s29+$0x19020]  }
0xaa: {  	v30 =	vld [tilespmem:s21+$0x0];
	(erf) = vpow2.f32 v26;
	v9 =	vmul.f32 v28, v9  }
0xab: {  	v31 =	vmul.f32 $1.442695020e+00, v24;
	v32 =	vpop (erf);
	v33 =	vld [tilespmem:s29+$0x19030]  }
0xac: {  	v34 =	vld [tilespmem:s21+$0x10];
	(erf) = vpow2.f32 v27;
	v8 =	vmul.f32 v32, v8;
	v35 =	vadd.f32 $0.0e+00, v9  }
0xad: {  	v37 =	vld [tilespmem:s29+$0x19040];
	v36 =	vpop (erf)  }
0xae: {  	v38 =	vld [tilespmem:s21+$0x20];
	(erf) = vpow2.f32 v31;
	v39 =	vmul.f32 v36, v29;
	v10 =	vadd.f32 v8, v35  }
0xaf: {  	v41 =	vld [tilespmem:s29+$0x19050];
	v40 =	vpop (erf)  }
0xb0: {  	v42 =	vld [tilespmem:s21+$0x30];
	v12 =	vmul.f32 v40, v33;
	v10 =	vadd.f32 v39, v10  }
0xb1: {  	v43 =	vld [tilespmem:s29+$0x19060];
	vm0 =	vgt.f32 v34, v30;
	v44 =	vpop (erf)  }
0xb2: {  	v45 =	vld [tilespmem:s21+$0x40];
	v14 =	vsel vm0, v34, v30;
	v46 =	vmul.f32 v44, v37;
	v10 =	vadd.f32 v12, v10  }
0xb3: {  	v47 =	vld [tilespmem:s29+$0x19070];
	vm1 =	vgt.f32 v38, v14;
	v48 =	vpop (erf)  }
0xb4: {  	v49 =	vld [tilespmem:s21+$0x50];
	v14 =	vsel vm1, v38, v14;
	v13 =	vmul.f32 v48, v41;
	v10 =	vadd.f32 v46, v10  }
0xb5: {  	vm2 =	vgt.f32 v42, v14;
	v50 =	vpop (erf)  }
0xb6: {  	v51 =	vld [tilespmem:s21+$0x60];
	v14 =	vsel vm2, v42, v14;
	v15 =	vmul.f32 v50, v43;
	v10 =	vadd.f32 v13, v10  }
0xb7: {  	vm3 =	vgt.f32 v45, v14;
	v52 =	vpop (erf)  }
0xb8: {  	v53 =	vld [tilespmem:s21+$0x70];
	v14 =	vsel vm3, v45, v14;
	v17 =	vmul.f32 v52, v47;
	v10 =	vadd.f32 v15, v10  }
0xb9: {  	vm4 =	vgt.f32 v49, v14  }
0xba: {  	v14 =	vsel vm4, v49, v14;
	v10 =	vadd.f32 v17, v10  }
0xbb: {  	vm5 =	vgt.f32 v51, v14  }
0xbc: {  	v14 =	vsel vm5, v51, v14;
	(xrf2) =	vadd.scan.msk.f32 $0xffff, v10  }
0xbd: {  	vm6 =	vgt.f32 v53, v14  }
0xbe: {  	v54 =	vsel vm6, v53, v14  }
0xbf: {  	(xrf0) =	vmax.scan.msk.f32 $0xffff, v54;
	_ =	sdelay $0x3  }
0xc0: {  	v55 =	vsel vm0, v1, v0  }
0xc1: {  	v14 =	vsel vm1, v2, v55  }
0xc2: {  	v14 =	vsel vm2, v3, v14;
	v56, _, _ =	vpop (xrf0)  }
0xc3: {  	v14 =	vsel vm3, v4, v14;
	v57, _, _ =	vpop (xrf2)  }
0xc4: {  	v14 =	vsel vm4, v5, v14;
	v18 =	vbroadcast v56, $0xF;
	v19 =	vbroadcast v57, $0xF  }
0xc5: {  	v14 =	vsel vm5, v6, v14  }
0xc6: {  	v14 =	vsel vm6, v7, v14;
	vm15 =	veq.f32 v54, v18;
	(erf) = vrcp.f32 v19  }
0xc7: {  	v10 =	vnsel vm15, $0x80000080, v14  }
0xc8: {  	(xrf0) =	vmin.scan.msk.u32 $0xffff, v10;
	_ =	sdelay $0x5  }
0xc9: {  	v10, _, _ =	vpop (xrf0)  }
0xca: {  	v58 =	vpop (erf)  }
0xcb: {  	(v2sf) =	vpush v10, $0xF;
	v9 =	vmul.f32 v58, v9  }
0xcc: {  	v59 =	vmul.f32 v58, v39  }
0xcd: {  	v60 =	vmul.f32 v58, v12;
	[tilespmem:s25+$0x0] =	vst v9  }
0xce: {  	v8 =	vmul.f32 v58, v8;
	[tilespmem:s25+$0x20] =	vst v59  }
0xcf: {  	v61 =	vmul.f32 v58, v17;
	[tilespmem:s25+$0x30] =	vst v60  }
0xd0: {  	v62 =	vmul.f32 v58, v15;
	[tilespmem:s25+$0x10] =	vst v8  }
0xd1: {  	v63 =	vmul.f32 v58, v46;
	[tilespmem:s25+$0x70] =	vst v61  }
0xd2: {  	s21 =	smul.u32 @p0 $0xC80, s20;
	v8 =	vmul.f32 v58, v13;
	[tilespmem:s25+$0x60] =	vst v62  }
0xd3: {  	[tilespmem:s25+$0x40] =	vst v63  }
0xd4: {  	s19 =	sadd.s32 $0x1, s19;
	s22 =	simm.s32 @p0 $0x0;
	s21 =	sadd.s32 @p0 s7, s21;
	[tilespmem:s25+$0x50] =	vst v8  }
0xd5: {  	[hbm4b:s21+s22] =	stream.linear.scatter @p0 [tilespmem:s22], [sflag:$0x2], $0x6380, $0x38;
	[tilespmem:$0x1D000] =	vst v63  }
0xd6: {  	s20 =	smul.u32 @p1 $0xC80, s20;
	p0 =	sne.s32 s19, $0x20  }
.Ltmp2:
0xd7: {  	_ = 	snop;
	(pc) =	sbr.rel @p0 .LBB2_2-.Ltmp2, $4  }
0xd8: {  	_ = 	snop  }
0xd9: {  	s20 =	sadd.s32 @p1 s7, s20  }
0xda: {  	s21 =	simm.s32 @p1 $0x0;
	s22 =	simm.s32 @p1 $0x6380;
	s31 =	spop (v2sf)  }
0xdb: {  	[hbm4b:s20+s21] =	stream.linear.scatter @p1 [tilespmem:s22], [sflag:$0x2], $0x6380, $0x38;
	[tilespmem:$0x1D000] =	vst v63  }
0xdc: {  	s18 =	sadd.s32 $0x1, s18  }
0xdd: {  	p0 =	sne.s32 s18, s14  }
.Ltmp3:
0xde: {  	_ = 	snop;
	(pc) =	sbr.rel @p0 .LBB2_1-.Ltmp3, $4  }
0xdf: {  	_ = 	snop  }
0xe0: {  	_ =	swait.ge [sflag:s17], $0x6380  }
0xe1: {  	[sflag:s17] =	ssyncset.done $0x0  }
0xe2: {  	[sflag:s17] =	ssyncadd.s32 $0xFFFF9C80  }
0xe3: {  	_ =	sfence.sel $0x180000  }
0xe4: {  	[bflag:$0x0] =	sbarrier.arrive $0xFFFF  }
0xe5: {  	p0 =	sne.s32 s1, $0x0;
	_ =	strace $0x90000047  }
0xe6: {  	s0 =	sadd.s32 @!p0 $0x100000, s0;
	[bflag:$0x2] =	sbarrier.arrive $0xFFFF  }
0xe7: {  	[sflag:s0] =	ssyncadd.tile.s32 @!p0 $0x1;
	_ =	shalt  }
.Lfunc_end2:
_tile_overlayer_lowered:
.L_overlay_start_2:
0xe8: {  	(tag) =	ssettag $0x2  }
0xe9: {  	s0 =	rddreg [dreg:$0x0];
	s2 =	stileid.u32  }
0xea: {  	s1 =	rddreg [dreg:$0x1];
	p0 =	sne.s32 s2, $0x0  }
0xeb: {  	s3 =	rddreg [dreg:$0x2];
	[bflag:$0x3] =	sbarrier.arrive $0xFFFF;
	s2 =	simm.s32 @!p0 $0x1C03  }
0xec: {  	[timem:s3], [sflag:s2] =	dma.local @!p0 [hbm:s0], s1  }
0xed: {  	s0 =	simm.s32 @!p0 $0x3  }
0xee: {  	_ =	swait.ge @!p0 [sflag:s0], s1  }
0xef: {  	s1 =	ssub.s32 @!p0 $0x0, s1;
	[sflag:s0] =	ssyncset.done @!p0 $0x0  }
0xf0: {  	[sflag:s0] =	ssyncadd.s32 @!p0 s1  }
0xf1: {  	[bflag:$0x3] =	sbarrier.arrive $0xFFFF  }
0xf2: {  	_ =	shalt  }

</sc_bundles>
